<compile_context>
chip_gen: v7x
topology: tpu7x:2x2x1
jax: 0.10.2.dev20260603
libtpu: 0.0.44.dev20260713+nightly
codegen_flags: <defaults>
</compile_context>

<pallas_src>
import functools

import jax
import jax.numpy as jnp
from jax import lax
from jax.experimental import pallas as pl
from jax.experimental.pallas import tpu as pltpu
from jax.experimental.pallas import tpu_sc as plsc

N_NODES = 10000
N_EDGES = 320000
D_IN = 128
D_HID = 64
D_OUT = 40
D_OUT_PAD = 48

NP = 10240
NW = 32
CHUNK = 128
E_PAD = 323584
NCH = E_PAD // (NW * CHUNK)
ROWS_PER_SUB = NP // 16

_DUMMY_DST = N_NODES


def _mm1_body(x_ref, w_ref, b_ref, o_ref):
    o_ref[:N_NODES, :D_HID] = (
        jax.lax.dot_general(
            x_ref[...], w_ref[...], (((1,), (1,)), ((), ())),
            preferred_element_type=jnp.float32)
        + b_ref[0][None, :]
    )


def _mm1(x, w1, b1row):
    return pl.pallas_call(
        _mm1_body,
        grid=(1,),
        in_specs=[
            pl.BlockSpec((N_NODES, D_IN), lambda i: (0, 0)),
            pl.BlockSpec((D_HID, D_IN), lambda i: (0, 0)),
            pl.BlockSpec((8, D_HID), lambda i: (0, 0)),
        ],
        out_specs=pl.BlockSpec((NP, 128), lambda i: (0, 0)),
        out_shape=jax.ShapeDtypeStruct((NP, 128), jnp.float32),
    )(x, w1, b1row)


def _make_edge_agg(D):
    mesh = plsc.VectorSubcoreMesh(core_axis_name="c", subcore_axis_name="s")

    @functools.partial(
        pl.kernel,
        mesh=mesh,
        compiler_params=pltpu.CompilerParams(use_tc_tiling_on_sc=False),
        out_type=jax.ShapeDtypeStruct((NP, 128), jnp.float32),
        scratch_types=[
            pltpu.VMEM((NCH, CHUNK), jnp.int32),
            pltpu.VMEM((NCH, CHUNK), jnp.int32),
            pltpu.VMEM((CHUNK, D), jnp.float32),
            pltpu.VMEM((CHUNK, D), jnp.float32),
            pltpu.VMEM_SHARED((NP, D), jnp.float32),
            pltpu.VMEM_SHARED((NP, D), jnp.float32),
            pltpu.SemaphoreType.DMA,
            pltpu.SemaphoreType.DMA,
        ],
    )
    def k(h_hbm, e_hbm, out_hbm,
          src_v, dst_v, buf_a, buf_b, acc, htab, sem_a, sem_b):
        c = lax.axis_index("c")
        s = lax.axis_index("s")
        w = c * 16 + s
        base = s * ROWS_PER_SUB

        pltpu.async_copy(
            h_hbm.at[pl.ds(base, ROWS_PER_SUB), pl.ds(0, D)],
            htab.at[pl.ds(base, ROWS_PER_SUB)],
            sem_b,
        )

        @pl.loop(0, CHUNK)
        def _(r):
            @pl.loop(0, D, step=16)
            def _(col):
                buf_a[r, pl.ds(col, 16)] = jnp.zeros((16,), jnp.float32)

        @pl.loop(0, ROWS_PER_SUB // CHUNK)
        def _(i):
            pltpu.sync_copy(buf_a, acc.at[pl.ds(base + i * CHUNK, CHUNK)])

        pltpu.sync_copy(e_hbm.at[0, w], src_v)
        pltpu.sync_copy(e_hbm.at[1, w], dst_v)
        pltpu.make_async_copy(
            h_hbm.at[pl.ds(base, ROWS_PER_SUB), pl.ds(0, D)],
            htab.at[pl.ds(base, ROWS_PER_SUB)],
            sem_b,
        ).wait()
        plsc.subcore_barrier()

        pltpu.async_copy(htab.at[src_v.at[0]], buf_a, sem_a)

        @pl.loop(0, (NCH - 1) // 2)
        def _(p):
            j = p * 2
            pltpu.async_copy(htab.at[src_v.at[j + 1]], buf_b, sem_b)
            pltpu.make_async_copy(htab.at[src_v.at[j]], buf_a, sem_a).wait()
            pltpu.sync_copy(buf_a, acc.at[dst_v.at[j]], add=True)
            pltpu.async_copy(htab.at[src_v.at[j + 2]], buf_a, sem_a)
            pltpu.make_async_copy(
                htab.at[src_v.at[j + 1]], buf_b, sem_b).wait()
            pltpu.sync_copy(buf_b, acc.at[dst_v.at[j + 1]], add=True)

        pltpu.make_async_copy(
            htab.at[src_v.at[NCH - 1]], buf_a, sem_a).wait()
        pltpu.sync_copy(buf_a, acc.at[dst_v.at[NCH - 1]], add=True)
        plsc.subcore_barrier()

        col0 = c * D
        pltpu.sync_copy(
            acc.at[pl.ds(base, ROWS_PER_SUB)],
            out_hbm.at[pl.ds(base, ROWS_PER_SUB), pl.ds(col0, D)],
        )

    return k


def _mid_body(p_ref, w_ref, b_ref, o_ref):
    blk = p_ref[...]
    agg = blk[:, :D_HID] + blk[:, D_HID:]
    h = jnp.where(agg > 0, agg, jnp.exp(jnp.minimum(agg, 0.0)) - 1.0)
    o_ref[:, :D_OUT_PAD] = (
        jax.lax.dot_general(
            h, w_ref[...], (((1,), (1,)), ((), ())),
            preferred_element_type=jnp.float32)
        + b_ref[0][None, :]
    )


def _mid(parts, w2p, b2row):
    return pl.pallas_call(
        _mid_body,
        grid=(1,),
        in_specs=[
            pl.BlockSpec((NP, 128), lambda i: (0, 0)),
            pl.BlockSpec((D_OUT_PAD, D_HID), lambda i: (0, 0)),
            pl.BlockSpec((8, D_OUT_PAD), lambda i: (0, 0)),
        ],
        out_specs=pl.BlockSpec((NP, 128), lambda i: (0, 0)),
        out_shape=jax.ShapeDtypeStruct((NP, 128), jnp.float32),
    )(parts, w2p, b2row)


def _final_body(p_ref, o_ref):
    blk = p_ref[...]
    logits = blk[:, :D_OUT] + blk[:, D_OUT_PAD:D_OUT_PAD + D_OUT]
    m = jnp.max(logits, axis=1, keepdims=True)
    e = jnp.exp(logits - m)
    lse = jnp.log(jnp.sum(e, axis=1, keepdims=True)) + m
    o_ref[...] = logits - lse


def _final(parts):
    return pl.pallas_call(
        _final_body,
        grid=(1,),
        in_specs=[pl.BlockSpec((N_NODES, 128), lambda i: (0, 0))],
        out_specs=pl.BlockSpec((N_NODES, D_OUT), lambda i: (0, 0)),
        out_shape=jax.ShapeDtypeStruct((N_NODES, D_OUT), jnp.float32),
    )(parts)


def kernel(x, edge_index, W1, b1, W2, b2):
    pad = E_PAD - N_EDGES
    dummy = _DUMMY_DST + jnp.arange(pad, dtype=jnp.int32) % (NP - N_NODES)
    pad_block = jnp.stack([jnp.zeros((pad,), jnp.int32), dummy])
    edges = jnp.concatenate([edge_index.astype(jnp.int32), pad_block], axis=1)
    edges = edges.reshape(2, NW, NCH, CHUNK)

    b1row = jnp.tile(b1[None, :], (8, 1))
    w2p = jnp.pad(W2, ((0, D_OUT_PAD - D_OUT), (0, 0)))
    b2row = jnp.tile(jnp.pad(b2, (0, D_OUT_PAD - D_OUT))[None, :], (8, 1))

    h1 = _mm1(x, W1, b1row)
    parts1 = _make_edge_agg(D_HID)(h1, edges)
    h2 = _mid(parts1, w2p, b2row)
    parts2 = _make_edge_agg(D_OUT_PAD)(h2, edges)
    return _final(parts2)

# --- scband reference (transcript-rebuilt; emitter-appended) ---
"""Pipeline reference for scband-net-40063454937539 (READ-ONLY COPY).

The authoritative reference and input builder live on the scoring server;
editing this copy changes nothing except your own understanding.
"""

import jax, jax.numpy as jnp
import numpy as np

N_NODES = 10000
N_EDGES = 320000
D_IN = 128
D_HID = 64
D_OUT = 40


def setup_inputs(seed: int = 0) -> dict:
    key = jax.random.key(seed)
    k1, k2, k3, k4, k5, k6 = jax.random.split(key, 6)
    x = jax.random.normal(k1, (N_NODES, D_IN), dtype=jnp.float32)
    edge_index = jax.random.randint(k2, (2, N_EDGES), 0, N_NODES, dtype=jnp.int64)
    # conv1: Linear(128 -> 64); conv2: Linear(64 -> 40)
    lim1 = 1.0 / np.sqrt(D_IN)
    W1 = jax.random.uniform(k3, (D_HID, D_IN), minval=-lim1, maxval=lim1, dtype=jnp.float32)
    b1 = jax.random.uniform(k4, (D_HID,), minval=-lim1, maxval=lim1, dtype=jnp.float32)
    lim2 = 1.0 / np.sqrt(D_HID)
    W2 = jax.random.uniform(k5, (D_OUT, D_HID), minval=-lim2, maxval=lim2, dtype=jnp.float32)
    b2 = jax.random.uniform(k6, (D_OUT,), minval=-lim2, maxval=lim2, dtype=jnp.float32)
    return {"x": x, "edge_index": edge_index, "W1": W1, "b1": b1, "W2": W2, "b2": b2}


def _plain_conv(x, edge_index, W, b, num_nodes):
    # lin then propagate(aggr='add'): out[dst] += x_lin[src]
    h = x @ W.T + b
    src = edge_index[0]
    dst = edge_index[1]
    msgs = jnp.take(h, src, axis=0)
    return jax.ops.segment_sum(msgs, dst, num_segments=num_nodes)


def reference(x, edge_index, W1, b1, W2, b2):
    # eval mode: dropout is identity
    n = x.shape[0]
    h = _plain_conv(x, edge_index, W1, b1, n)
    h = jax.nn.elu(h)
    h = _plain_conv(h, edge_index, W2, b2, n)
    return jax.nn.log_softmax(h, axis=1)

if __name__ == "__main__":
    import jax
    _d = setup_inputs()
    print(jax.jit(kernel)(*tuple(_d.values())))

</pallas_src>

<mosaic_0001>
#map = affine_map<(d0, d1) -> (0, 0)>
#map1 = affine_map<(d0, d1) -> (0, 0, 0, 0)>
module attributes {stable_mosaic.version = 14 : i64} {
  func.func @k(%arg0: i32, %arg1: i32, %arg2: memref<10240x128xf32, #tpu.memory_space<hbm>>, %arg3: memref<2x32x79x128xi32, #tpu.memory_space<hbm>>, %arg4: memref<10240x128xf32, #tpu.memory_space<hbm>>, %arg5: memref<79x128xi32, #tpu.memory_space<vmem>>, %arg6: memref<79x128xi32, #tpu.memory_space<vmem>>, %arg7: memref<128x64xf32, #tpu.memory_space<vmem>>, %arg8: memref<128x64xf32, #tpu.memory_space<vmem>>, %arg9: memref<10240x64xf32, #tpu.memory_space<vmem_shared>>, %arg10: memref<10240x64xf32, #tpu.memory_space<vmem_shared>>, %arg11: memref<!tpu.dma_semaphore, #tpu.memory_space<semaphore_mem>>, %arg12: memref<!tpu.dma_semaphore, #tpu.memory_space<semaphore_mem>>) attributes {dimension_semantics = [#tpu.dimension_semantics<core_parallel>, #tpu.dimension_semantics<subcore_parallel>], iteration_bounds = array<i64: 2, 16>, scalar_prefetch = 0 : i64, scratch_operands = 8 : i64, tpu.core_type = #tpu.core_type<sc_vector_subcore>, window_params = [{transform_indices = #map}, {transform_indices = #map1}, {transform_indices = #map}]} {
    %mul3A = arith.constant 16 : i32
    %mul3A_0 = arith.muli %arg0, %mul3A : i32
    %add3A = arith.addi %mul3A_0, %arg1 : i32
    %mul3A_1 = arith.constant 640 : i32
    %mul3A_2 = arith.muli %arg1, %mul3A_1 : i32
    %dma_start3A = arith.constant 0 : i32
    %dma_start3A_3 = tpu.memref_slice %arg10[%mul3A_2, %dma_start3A] : memref<10240x64xf32, #tpu.memory_space<vmem_shared>> -> memref<640x64xf32, #tpu.memory_space<vmem_shared>>
    %dma_start3A_4 = arith.constant 0 : i32
    %dma_start3A_5 = tpu.memref_slice %arg2[%mul3A_2, %dma_start3A_4] : memref<10240x128xf32, #tpu.memory_space<hbm>> -> memref<640x64xf32, #tpu.memory_space<hbm>>
    tpu.enqueue_dma source(%dma_start3A_5 : memref<640x64xf32, #tpu.memory_space<hbm>>) target(%dma_start3A_3 : memref<640x64xf32, #tpu.memory_space<vmem_shared>>) target_semaphore(%arg12 : memref<!tpu.dma_semaphore, #tpu.memory_space<semaphore_mem>>)
    %scan3A = arith.constant 0 : i32
    %scan3A_6 = arith.constant 128 : i32
    %scan3A_7 = arith.addi %scan3A, %scan3A_6 : i32
    %scan3A_8 = arith.constant 1 : i32
    scf.for %scan3A_42 = %scan3A to %scan3A_7 step %scan3A_8  : i32 {
      %mul3A_43 = arith.constant 1 : i32
      %mul3A_44 = arith.muli %scan3A_42, %mul3A_43 : i32
      %add3A_45 = arith.constant 0 : i32
      %add3A_46 = arith.addi %add3A_45, %mul3A_44 : i32
      %scan3A_47 = arith.constant 0 : i32
      %scan3A_48 = arith.constant 4 : i32
      %scan3A_49 = arith.addi %scan3A_47, %scan3A_48 : i32
      %scan3A_50 = arith.constant 1 : i32
      scf.for %scan3A_52 = %scan3A_47 to %scan3A_49 step %scan3A_50  : i32 {
        %mul3A_53 = arith.constant 16 : i32
        %mul3A_54 = arith.muli %scan3A_52, %mul3A_53 : i32
        %add3A_55 = arith.constant 0 : i32
        %add3A_56 = arith.addi %add3A_55, %mul3A_54 : i32
        %broadcast_in_dim3A = arith.constant 0.000000e+00 : f32
        %broadcast_in_dim3A_57 = vector.broadcast %broadcast_in_dim3A : f32 to vector<16xf32>
        %swap3A = arith.index_cast %add3A_46 : i32 to index
        %swap3A_58 = arith.index_cast %add3A_56 : i32 to index
        %swap3A_59 = tpu.vector_load %arg7[%swap3A, %swap3A_58] {strides = array<i32>} : memref<128x64xf32, #tpu.memory_space<vmem>>, vector<1x16xf32>,
        %swap3A_60 = vector.shape_cast %swap3A_59 : vector<1x16xf32> to vector<16xf32>
        %swap3A_61 = vector.shape_cast %broadcast_in_dim3A_57 : vector<16xf32> to vector<1x16xf32>
        tpu.vector_store %arg7[%swap3A, %swap3A_58], %swap3A_61 {strides = array<i32>} : memref<128x64xf32, #tpu.memory_space<vmem>>, vector<1x16xf32>,
      }
      %scan3A_51 = arith.constant 4 : i32
    }
    %scan3A_9 = arith.constant 128 : i32
    %scan3A_10 = arith.constant 0 : i32
    %scan3A_11 = arith.constant 5 : i32
    %scan3A_12 = arith.addi %scan3A_10, %scan3A_11 : i32
    %scan3A_13 = arith.constant 1 : i32
    scf.for %scan3A_42 = %scan3A_10 to %scan3A_12 step %scan3A_13  : i32 {
      %mul3A_43 = arith.constant 1 : i32
      %mul3A_44 = arith.muli %scan3A_42, %mul3A_43 : i32
      %add3A_45 = arith.constant 0 : i32
      %add3A_46 = arith.addi %add3A_45, %mul3A_44 : i32
      %mul3A_47 = arith.constant 128 : i32
      %mul3A_48 = arith.muli %add3A_46, %mul3A_47 : i32
      %add3A_49 = arith.addi %mul3A_2, %mul3A_48 : i32
      "tpu.region"() ({
        %run_scoped3A_50 = tpu.sem_alloc : memref<!tpu.dma_semaphore, #tpu.memory_space<semaphore_mem>>
        %dma_start3A_51 = arith.constant 0 : i32
        %dma_start3A_52 = tpu.memref_slice %arg9[%add3A_49, %dma_start3A_51] : memref<10240x64xf32, #tpu.memory_space<vmem_shared>> -> memref<128x64xf32, #tpu.memory_space<vmem_shared>>
        %dma_start3A_53 = arith.constant 0 : i32
        %dma_start3A_54 = tpu.memref_slice %arg9[%add3A_49, %dma_start3A_53] : memref<10240x64xf32, #tpu.memory_space<vmem_shared>> -> memref<128x64xf32, #tpu.memory_space<vmem_shared>>
        tpu.enqueue_dma source(%arg7 : memref<128x64xf32, #tpu.memory_space<vmem>>) target(%dma_start3A_54 : memref<128x64xf32, #tpu.memory_space<vmem_shared>>) target_semaphore(%run_scoped3A_50 : memref<!tpu.dma_semaphore, #tpu.memory_space<semaphore_mem>>)
        %dma_wait3A_55 = arith.constant 0 : i32
        %dma_wait3A_56 = tpu.memref_slice %arg9[%add3A_49, %dma_wait3A_55] : memref<10240x64xf32, #tpu.memory_space<vmem_shared>> -> memref<128x64xf32, #tpu.memory_space<vmem_shared>>
        %dma_wait3A_57 = arith.constant 0 : i32
        %dma_wait3A_58 = tpu.memref_slice %arg9[%add3A_49, %dma_wait3A_57] : memref<10240x64xf32, #tpu.memory_space<vmem_shared>> -> memref<128x64xf32, #tpu.memory_space<vmem_shared>>
        tpu.wait_dma2 semaphore(%run_scoped3A_50 : memref<!tpu.dma_semaphore, #tpu.memory_space<semaphore_mem>>) src(%arg7 : memref<128x64xf32, #tpu.memory_space<vmem>>) dst(%dma_wait3A_58 : memref<128x64xf32, #tpu.memory_space<vmem_shared>>)
        tpu.yield
      }) : () -> ()
    }
    %scan3A_14 = arith.constant 5 : i32
    %run_scoped3A = arith.constant 0 : i32
    "tpu.region"() ({
      %run_scoped3A_42 = tpu.sem_alloc : memref<!tpu.dma_semaphore, #tpu.memory_space<semaphore_mem>>
      %dma_start3A_43 = arith.constant 0 : i32
      %dma_start3A_44 = arith.constant 0 : i32
      %dma_start3A_45 = tpu.memref_slice %arg3[%run_scoped3A, %add3A, %dma_start3A_43, %dma_start3A_44] : memref<2x32x79x128xi32, #tpu.memory_space<hbm>> -> memref<1x1x79x128xi32, #tpu.memory_space<hbm>>
      %dma_start3A_46 = tpu.memref_squeeze %dma_start3A_45 : memref<1x1x79x128xi32, #tpu.memory_space<hbm>> -> memref<79x128xi32, #tpu.memory_space<hbm>>
      %dma_start3A_47 = arith.constant 0 : i32
      %dma_start3A_48 = arith.constant 0 : i32
      %dma_start3A_49 = tpu.memref_slice %arg3[%run_scoped3A, %add3A, %dma_start3A_47, %dma_start3A_48] : memref<2x32x79x128xi32, #tpu.memory_space<hbm>> -> memref<1x1x79x128xi32, #tpu.memory_space<hbm>>
      %dma_start3A_50 = tpu.memref_squeeze %dma_start3A_49 : memref<1x1x79x128xi32, #tpu.memory_space<hbm>> -> memref<79x128xi32, #tpu.memory_space<hbm>>
      tpu.enqueue_dma source(%dma_start3A_50 : memref<79x128xi32, #tpu.memory_space<hbm>>) target(%arg5 : memref<79x128xi32, #tpu.memory_space<vmem>>) target_semaphore(%run_scoped3A_42 : memref<!tpu.dma_semaphore, #tpu.memory_space<semaphore_mem>>)
      %dma_wait3A_51 = arith.constant 0 : i32
      %dma_wait3A_52 = arith.constant 0 : i32
      %dma_wait3A_53 = tpu.memref_slice %arg3[%run_scoped3A, %add3A, %dma_wait3A_51, %dma_wait3A_52] : memref<2x32x79x128xi32, #tpu.memory_space<hbm>> -> memref<1x1x79x128xi32, #tpu.memory_space<hbm>>
      %dma_wait3A_54 = tpu.memref_squeeze %dma_wait3A_53 : memref<1x1x79x128xi32, #tpu.memory_space<hbm>> -> memref<79x128xi32, #tpu.memory_space<hbm>>
      %dma_wait3A_55 = arith.constant 0 : i32
      %dma_wait3A_56 = arith.constant 0 : i32
      %dma_wait3A_57 = tpu.memref_slice %arg3[%run_scoped3A, %add3A, %dma_wait3A_55, %dma_wait3A_56] : memref<2x32x79x128xi32, #tpu.memory_space<hbm>> -> memref<1x1x79x128xi32, #tpu.memory_space<hbm>>
      %dma_wait3A_58 = tpu.memref_squeeze %dma_wait3A_57 : memref<1x1x79x128xi32, #tpu.memory_space<hbm>> -> memref<79x128xi32, #tpu.memory_space<hbm>>
      tpu.wait_dma2 semaphore(%run_scoped3A_42 : memref<!tpu.dma_semaphore, #tpu.memory_space<semaphore_mem>>) src(%dma_wait3A_58 : memref<79x128xi32, #tpu.memory_space<hbm>>) dst(%arg5 : memref<79x128xi32, #tpu.memory_space<vmem>>)
      tpu.yield
    }) : () -> ()
    %run_scoped3A_15 = arith.constant 1 : i32
    "tpu.region"() ({
      %run_scoped3A_42 = tpu.sem_alloc : memref<!tpu.dma_semaphore, #tpu.memory_space<semaphore_mem>>
      %dma_start3A_43 = arith.constant 0 : i32
      %dma_start3A_44 = arith.constant 0 : i32
      %dma_start3A_45 = tpu.memref_slice %arg3[%run_scoped3A_15, %add3A, %dma_start3A_43, %dma_start3A_44] : memref<2x32x79x128xi32, #tpu.memory_space<hbm>> -> memref<1x1x79x128xi32, #tpu.memory_space<hbm>>
      %dma_start3A_46 = tpu.memref_squeeze %dma_start3A_45 : memref<1x1x79x128xi32, #tpu.memory_space<hbm>> -> memref<79x128xi32, #tpu.memory_space<hbm>>
      %dma_start3A_47 = arith.constant 0 : i32
      %dma_start3A_48 = arith.constant 0 : i32
      %dma_start3A_49 = tpu.memref_slice %arg3[%run_scoped3A_15, %add3A, %dma_start3A_47, %dma_start3A_48] : memref<2x32x79x128xi32, #tpu.memory_space<hbm>> -> memref<1x1x79x128xi32, #tpu.memory_space<hbm>>
      %dma_start3A_50 = tpu.memref_squeeze %dma_start3A_49 : memref<1x1x79x128xi32, #tpu.memory_space<hbm>> -> memref<79x128xi32, #tpu.memory_space<hbm>>
      tpu.enqueue_dma source(%dma_start3A_50 : memref<79x128xi32, #tpu.memory_space<hbm>>) target(%arg6 : memref<79x128xi32, #tpu.memory_space<vmem>>) target_semaphore(%run_scoped3A_42 : memref<!tpu.dma_semaphore, #tpu.memory_space<semaphore_mem>>)
      %dma_wait3A_51 = arith.constant 0 : i32
      %dma_wait3A_52 = arith.constant 0 : i32
      %dma_wait3A_53 = tpu.memref_slice %arg3[%run_scoped3A_15, %add3A, %dma_wait3A_51, %dma_wait3A_52] : memref<2x32x79x128xi32, #tpu.memory_space<hbm>> -> memref<1x1x79x128xi32, #tpu.memory_space<hbm>>
      %dma_wait3A_54 = tpu.memref_squeeze %dma_wait3A_53 : memref<1x1x79x128xi32, #tpu.memory_space<hbm>> -> memref<79x128xi32, #tpu.memory_space<hbm>>
      %dma_wait3A_55 = arith.constant 0 : i32
      %dma_wait3A_56 = arith.constant 0 : i32
      %dma_wait3A_57 = tpu.memref_slice %arg3[%run_scoped3A_15, %add3A, %dma_wait3A_55, %dma_wait3A_56] : memref<2x32x79x128xi32, #tpu.memory_space<hbm>> -> memref<1x1x79x128xi32, #tpu.memory_space<hbm>>
      %dma_wait3A_58 = tpu.memref_squeeze %dma_wait3A_57 : memref<1x1x79x128xi32, #tpu.memory_space<hbm>> -> memref<79x128xi32, #tpu.memory_space<hbm>>
      tpu.wait_dma2 semaphore(%run_scoped3A_42 : memref<!tpu.dma_semaphore, #tpu.memory_space<semaphore_mem>>) src(%dma_wait3A_58 : memref<79x128xi32, #tpu.memory_space<hbm>>) dst(%arg6 : memref<79x128xi32, #tpu.memory_space<vmem>>)
      tpu.yield
    }) : () -> ()
    %dma_wait3A = arith.constant 0 : i32
    %dma_wait3A_16 = tpu.memref_slice %arg10[%mul3A_2, %dma_wait3A] : memref<10240x64xf32, #tpu.memory_space<vmem_shared>> -> memref<640x64xf32, #tpu.memory_space<vmem_shared>>
    %dma_wait3A_17 = arith.constant 0 : i32
    %dma_wait3A_18 = tpu.memref_slice %arg2[%mul3A_2, %dma_wait3A_17] : memref<10240x128xf32, #tpu.memory_space<hbm>> -> memref<640x64xf32, #tpu.memory_space<hbm>>
    tpu.wait_dma2 semaphore(%arg12 : memref<!tpu.dma_semaphore, #tpu.memory_space<semaphore_mem>>) src(%dma_wait3A_18 : memref<640x64xf32, #tpu.memory_space<hbm>>) dst(%dma_wait3A_16 : memref<640x64xf32, #tpu.memory_space<vmem_shared>>)
    %barrier3A = arith.constant 0 : index
    tpu.barrier barrier_id(%barrier3A)
    %dma_start3A_19 = arith.constant 0 : i32
    %dma_start3A_20 = arith.constant 0 : i32
    %dma_start3A_21 = tpu.memref_slice %arg5[%dma_start3A_19, %dma_start3A_20] : memref<79x128xi32, #tpu.memory_space<vmem>> -> memref<1x128xi32, #tpu.memory_space<vmem>>
    %dma_start3A_22 = tpu.memref_squeeze %dma_start3A_21 : memref<1x128xi32, #tpu.memory_space<vmem>> -> memref<128xi32, #tpu.memory_space<vmem>>
    %dma_start3A_23 = arith.constant 0 : i32
    %dma_start3A_24 = arith.constant 0 : i32
    %dma_start3A_25 = tpu.memref_slice %arg10[%dma_start3A_23, %dma_start3A_24] : memref<10240x64xf32, #tpu.memory_space<vmem_shared>> -> memref<10240x64xf32, #tpu.memory_space<vmem_shared>>
    tpu.enqueue_indirect_dma source(%dma_start3A_25 : memref<10240x64xf32, #tpu.memory_space<vmem_shared>>) target(%arg7 : memref<128x64xf32, #tpu.memory_space<vmem>>) offsets(%dma_start3A_22 : memref<128xi32, #tpu.memory_space<vmem>>) semaphore(%arg11 : memref<!tpu.dma_semaphore, #tpu.memory_space<semaphore_mem>>)
    %scan3A_26 = arith.constant 0 : i32
    %scan3A_27 = arith.constant 39 : i32
    %scan3A_28 = arith.addi %scan3A_26, %scan3A_27 : i32
    %scan3A_29 = arith.constant 1 : i32
    scf.for %scan3A_42 = %scan3A_26 to %scan3A_28 step %scan3A_29  : i32 {
      %mul3A_43 = arith.constant 1 : i32
      %mul3A_44 = arith.muli %scan3A_42, %mul3A_43 : i32
      %add3A_45 = arith.constant 0 : i32
      %add3A_46 = arith.addi %add3A_45, %mul3A_44 : i32
      %mul3A_47 = arith.constant 2 : i32
      %mul3A_48 = arith.muli %add3A_46, %mul3A_47 : i32
      %add3A_49 = arith.constant 1 : i32
      %add3A_50 = arith.addi %mul3A_48, %add3A_49 : i32
      %dma_start3A_51 = arith.constant 0 : i32
      %dma_start3A_52 = tpu.memref_slice %arg5[%add3A_50, %dma_start3A_51] : memref<79x128xi32, #tpu.memory_space<vmem>> -> memref<1x128xi32, #tpu.memory_space<vmem>>
      %dma_start3A_53 = tpu.memref_squeeze %dma_start3A_52 : memref<1x128xi32, #tpu.memory_space<vmem>> -> memref<128xi32, #tpu.memory_space<vmem>>
      %dma_start3A_54 = arith.constant 0 : i32
      %dma_start3A_55 = arith.constant 0 : i32
      %dma_start3A_56 = tpu.memref_slice %arg10[%dma_start3A_54, %dma_start3A_55] : memref<10240x64xf32, #tpu.memory_space<vmem_shared>> -> memref<10240x64xf32, #tpu.memory_space<vmem_shared>>
      tpu.enqueue_indirect_dma source(%dma_start3A_56 : memref<10240x64xf32, #tpu.memory_space<vmem_shared>>) target(%arg8 : memref<128x64xf32, #tpu.memory_space<vmem>>) offsets(%dma_start3A_53 : memref<128xi32, #tpu.memory_space<vmem>>) semaphore(%arg12 : memref<!tpu.dma_semaphore, #tpu.memory_space<semaphore_mem>>)
      %dma_wait3A_57 = arith.constant 0 : i32
      %dma_wait3A_58 = tpu.memref_slice %arg5[%mul3A_48, %dma_wait3A_57] : memref<79x128xi32, #tpu.memory_space<vmem>> -> memref<1x128xi32, #tpu.memory_space<vmem>>
      %dma_wait3A_59 = tpu.memref_squeeze %dma_wait3A_58 : memref<1x128xi32, #tpu.memory_space<vmem>> -> memref<128xi32, #tpu.memory_space<vmem>>
      %dma_wait3A_60 = arith.constant 0 : i32
      %dma_wait3A_61 = arith.constant 0 : i32
      %dma_wait3A_62 = tpu.memref_slice %arg10[%dma_wait3A_60, %dma_wait3A_61] : memref<10240x64xf32, #tpu.memory_space<vmem_shared>> -> memref<10240x64xf32, #tpu.memory_space<vmem_shared>>
      tpu.wait_indirect_dma semaphore(%arg11 : memref<!tpu.dma_semaphore, #tpu.memory_space<semaphore_mem>>) src(%dma_wait3A_62 : memref<10240x64xf32, #tpu.memory_space<vmem_shared>>) dst(%arg7 : memref<128x64xf32, #tpu.memory_space<vmem>>)
      "tpu.region"() ({
        %run_scoped3A_81 = tpu.sem_alloc : memref<!tpu.dma_semaphore, #tpu.memory_space<semaphore_mem>>
        %dma_start3A_82 = arith.constant 0 : i32
        %dma_start3A_83 = tpu.memref_slice %arg6[%mul3A_48, %dma_start3A_82] : memref<79x128xi32, #tpu.memory_space<vmem>> -> memref<1x128xi32, #tpu.memory_space<vmem>>
        %dma_start3A_84 = tpu.memref_squeeze %dma_start3A_83 : memref<1x128xi32, #tpu.memory_space<vmem>> -> memref<128xi32, #tpu.memory_space<vmem>>
        %dma_start3A_85 = arith.constant 0 : i32
        %dma_start3A_86 = arith.constant 0 : i32
        %dma_start3A_87 = tpu.memref_slice %arg9[%dma_start3A_85, %dma_start3A_86] : memref<10240x64xf32, #tpu.memory_space<vmem_shared>> -> memref<10240x64xf32, #tpu.memory_space<vmem_shared>>
        tpu.enqueue_indirect_dma source(%arg7 : memref<128x64xf32, #tpu.memory_space<vmem>>) target(%dma_start3A_87 : memref<10240x64xf32, #tpu.memory_space<vmem_shared>>) offsets(%dma_start3A_84 : memref<128xi32, #tpu.memory_space<vmem>>) semaphore(%run_scoped3A_81 : memref<!tpu.dma_semaphore, #tpu.memory_space<semaphore_mem>>) {add = true}
        %dma_wait3A_88 = arith.constant 0 : i32
        %dma_wait3A_89 = tpu.memref_slice %arg6[%mul3A_48, %dma_wait3A_88] : memref<79x128xi32, #tpu.memory_space<vmem>> -> memref<1x128xi32, #tpu.memory_space<vmem>>
        %dma_wait3A_90 = tpu.memref_squeeze %dma_wait3A_89 : memref<1x128xi32, #tpu.memory_space<vmem>> -> memref<128xi32, #tpu.memory_space<vmem>>
        %dma_wait3A_91 = arith.constant 0 : i32
        %dma_wait3A_92 = arith.constant 0 : i32
        %dma_wait3A_93 = tpu.memref_slice %arg9[%dma_wait3A_91, %dma_wait3A_92] : memref<10240x64xf32, #tpu.memory_space<vmem_shared>> -> memref<10240x64xf32, #tpu.memory_space<vmem_shared>>
        tpu.wait_indirect_dma semaphore(%run_scoped3A_81 : memref<!tpu.dma_semaphore, #tpu.memory_space<semaphore_mem>>) src(%arg7 : memref<128x64xf32, #tpu.memory_space<vmem>>) dst(%dma_wait3A_93 : memref<10240x64xf32, #tpu.memory_space<vmem_shared>>)
        tpu.yield
      }) : () -> ()
      %add3A_63 = arith.constant 2 : i32
      %add3A_64 = arith.addi %mul3A_48, %add3A_63 : i32
      %dma_start3A_65 = arith.constant 0 : i32
      %dma_start3A_66 = tpu.memref_slice %arg5[%add3A_64, %dma_start3A_65] : memref<79x128xi32, #tpu.memory_space<vmem>> -> memref<1x128xi32, #tpu.memory_space<vmem>>
      %dma_start3A_67 = tpu.memref_squeeze %dma_start3A_66 : memref<1x128xi32, #tpu.memory_space<vmem>> -> memref<128xi32, #tpu.memory_space<vmem>>
      %dma_start3A_68 = arith.constant 0 : i32
      %dma_start3A_69 = arith.constant 0 : i32
      %dma_start3A_70 = tpu.memref_slice %arg10[%dma_start3A_68, %dma_start3A_69] : memref<10240x64xf32, #tpu.memory_space<vmem_shared>> -> memref<10240x64xf32, #tpu.memory_space<vmem_shared>>
      tpu.enqueue_indirect_dma source(%dma_start3A_70 : memref<10240x64xf32, #tpu.memory_space<vmem_shared>>) target(%arg7 : memref<128x64xf32, #tpu.memory_space<vmem>>) offsets(%dma_start3A_67 : memref<128xi32, #tpu.memory_space<vmem>>) semaphore(%arg11 : memref<!tpu.dma_semaphore, #tpu.memory_space<semaphore_mem>>)
      %add3A_71 = arith.constant 1 : i32
      %add3A_72 = arith.addi %mul3A_48, %add3A_71 : i32
      %dma_wait3A_73 = arith.constant 0 : i32
      %dma_wait3A_74 = tpu.memref_slice %arg5[%add3A_72, %dma_wait3A_73] : memref<79x128xi32, #tpu.memory_space<vmem>> -> memref<1x128xi32, #tpu.memory_space<vmem>>
      %dma_wait3A_75 = tpu.memref_squeeze %dma_wait3A_74 : memref<1x128xi32, #tpu.memory_space<vmem>> -> memref<128xi32, #tpu.memory_space<vmem>>
      %dma_wait3A_76 = arith.constant 0 : i32
      %dma_wait3A_77 = arith.constant 0 : i32
      %dma_wait3A_78 = tpu.memref_slice %arg10[%dma_wait3A_76, %dma_wait3A_77] : memref<10240x64xf32, #tpu.memory_space<vmem_shared>> -> memref<10240x64xf32, #tpu.memory_space<vmem_shared>>
      tpu.wait_indirect_dma semaphore(%arg12 : memref<!tpu.dma_semaphore, #tpu.memory_space<semaphore_mem>>) src(%dma_wait3A_78 : memref<10240x64xf32, #tpu.memory_space<vmem_shared>>) dst(%arg8 : memref<128x64xf32, #tpu.memory_space<vmem>>)
      %add3A_79 = arith.constant 1 : i32
      %add3A_80 = arith.addi %mul3A_48, %add3A_79 : i32
      "tpu.region"() ({
        %run_scoped3A_81 = tpu.sem_alloc : memref<!tpu.dma_semaphore, #tpu.memory_space<semaphore_mem>>
        %dma_start3A_82 = arith.constant 0 : i32
        %dma_start3A_83 = tpu.memref_slice %arg6[%add3A_80, %dma_start3A_82] : memref<79x128xi32, #tpu.memory_space<vmem>> -> memref<1x128xi32, #tpu.memory_space<vmem>>
        %dma_start3A_84 = tpu.memref_squeeze %dma_start3A_83 : memref<1x128xi32, #tpu.memory_space<vmem>> -> memref<128xi32, #tpu.memory_space<vmem>>
        %dma_start3A_85 = arith.constant 0 : i32
        %dma_start3A_86 = arith.constant 0 : i32
        %dma_start3A_87 = tpu.memref_slice %arg9[%dma_start3A_85, %dma_start3A_86] : memref<10240x64xf32, #tpu.memory_space<vmem_shared>> -> memref<10240x64xf32, #tpu.memory_space<vmem_shared>>
        tpu.enqueue_indirect_dma source(%arg8 : memref<128x64xf32, #tpu.memory_space<vmem>>) target(%dma_start3A_87 : memref<10240x64xf32, #tpu.memory_space<vmem_shared>>) offsets(%dma_start3A_84 : memref<128xi32, #tpu.memory_space<vmem>>) semaphore(%run_scoped3A_81 : memref<!tpu.dma_semaphore, #tpu.memory_space<semaphore_mem>>) {add = true}
        %dma_wait3A_88 = arith.constant 0 : i32
        %dma_wait3A_89 = tpu.memref_slice %arg6[%add3A_80, %dma_wait3A_88] : memref<79x128xi32, #tpu.memory_space<vmem>> -> memref<1x128xi32, #tpu.memory_space<vmem>>
        %dma_wait3A_90 = tpu.memref_squeeze %dma_wait3A_89 : memref<1x128xi32, #tpu.memory_space<vmem>> -> memref<128xi32, #tpu.memory_space<vmem>>
        %dma_wait3A_91 = arith.constant 0 : i32
        %dma_wait3A_92 = arith.constant 0 : i32
        %dma_wait3A_93 = tpu.memref_slice %arg9[%dma_wait3A_91, %dma_wait3A_92] : memref<10240x64xf32, #tpu.memory_space<vmem_shared>> -> memref<10240x64xf32, #tpu.memory_space<vmem_shared>>
        tpu.wait_indirect_dma semaphore(%run_scoped3A_81 : memref<!tpu.dma_semaphore, #tpu.memory_space<semaphore_mem>>) src(%arg8 : memref<128x64xf32, #tpu.memory_space<vmem>>) dst(%dma_wait3A_93 : memref<10240x64xf32, #tpu.memory_space<vmem_shared>>)
        tpu.yield
      }) : () -> ()
    }
    %scan3A_30 = arith.constant 39 : i32
    %dma_wait3A_31 = arith.constant 78 : i32
    %dma_wait3A_32 = arith.constant 0 : i32
    %dma_wait3A_33 = tpu.memref_slice %arg5[%dma_wait3A_31, %dma_wait3A_32] : memref<79x128xi32, #tpu.memory_space<vmem>> -> memref<1x128xi32, #tpu.memory_space<vmem>>
    %dma_wait3A_34 = tpu.memref_squeeze %dma_wait3A_33 : memref<1x128xi32, #tpu.memory_space<vmem>> -> memref<128xi32, #tpu.memory_space<vmem>>
    %dma_wait3A_35 = arith.constant 0 : i32
    %dma_wait3A_36 = arith.constant 0 : i32
    %dma_wait3A_37 = tpu.memref_slice %arg10[%dma_wait3A_35, %dma_wait3A_36] : memref<10240x64xf32, #tpu.memory_space<vmem_shared>> -> memref<10240x64xf32, #tpu.memory_space<vmem_shared>>
    tpu.wait_indirect_dma semaphore(%arg11 : memref<!tpu.dma_semaphore, #tpu.memory_space<semaphore_mem>>) src(%dma_wait3A_37 : memref<10240x64xf32, #tpu.memory_space<vmem_shared>>) dst(%arg7 : memref<128x64xf32, #tpu.memory_space<vmem>>)
    %run_scoped3A_38 = arith.constant 78 : i32
    "tpu.region"() ({
      %run_scoped3A_42 = tpu.sem_alloc : memref<!tpu.dma_semaphore, #tpu.memory_space<semaphore_mem>>
      %dma_start3A_43 = arith.constant 0 : i32
      %dma_start3A_44 = tpu.memref_slice %arg6[%run_scoped3A_38, %dma_start3A_43] : memref<79x128xi32, #tpu.memory_space<vmem>> -> memref<1x128xi32, #tpu.memory_space<vmem>>
      %dma_start3A_45 = tpu.memref_squeeze %dma_start3A_44 : memref<1x128xi32, #tpu.memory_space<vmem>> -> memref<128xi32, #tpu.memory_space<vmem>>
      %dma_start3A_46 = arith.constant 0 : i32
      %dma_start3A_47 = arith.constant 0 : i32
      %dma_start3A_48 = tpu.memref_slice %arg9[%dma_start3A_46, %dma_start3A_47] : memref<10240x64xf32, #tpu.memory_space<vmem_shared>> -> memref<10240x64xf32, #tpu.memory_space<vmem_shared>>
      tpu.enqueue_indirect_dma source(%arg7 : memref<128x64xf32, #tpu.memory_space<vmem>>) target(%dma_start3A_48 : memref<10240x64xf32, #tpu.memory_space<vmem_shared>>) offsets(%dma_start3A_45 : memref<128xi32, #tpu.memory_space<vmem>>) semaphore(%run_scoped3A_42 : memref<!tpu.dma_semaphore, #tpu.memory_space<semaphore_mem>>) {add = true}
      %dma_wait3A_49 = arith.constant 0 : i32
      %dma_wait3A_50 = tpu.memref_slice %arg6[%run_scoped3A_38, %dma_wait3A_49] : memref<79x128xi32, #tpu.memory_space<vmem>> -> memref<1x128xi32, #tpu.memory_space<vmem>>
      %dma_wait3A_51 = tpu.memref_squeeze %dma_wait3A_50 : memref<1x128xi32, #tpu.memory_space<vmem>> -> memref<128xi32, #tpu.memory_space<vmem>>
      %dma_wait3A_52 = arith.constant 0 : i32
      %dma_wait3A_53 = arith.constant 0 : i32
      %dma_wait3A_54 = tpu.memref_slice %arg9[%dma_wait3A_52, %dma_wait3A_53] : memref<10240x64xf32, #tpu.memory_space<vmem_shared>> -> memref<10240x64xf32, #tpu.memory_space<vmem_shared>>
      tpu.wait_indirect_dma semaphore(%run_scoped3A_42 : memref<!tpu.dma_semaphore, #tpu.memory_space<semaphore_mem>>) src(%arg7 : memref<128x64xf32, #tpu.memory_space<vmem>>) dst(%dma_wait3A_54 : memref<10240x64xf32, #tpu.memory_space<vmem_shared>>)
      tpu.yield
    }) : () -> ()
    %barrier3A_39 = arith.constant 0 : index
    tpu.barrier barrier_id(%barrier3A_39)
    %mul3A_40 = arith.constant 64 : i32
    %mul3A_41 = arith.muli %arg0, %mul3A_40 : i32
    "tpu.region"() ({
      %run_scoped3A_42 = tpu.sem_alloc : memref<!tpu.dma_semaphore, #tpu.memory_space<semaphore_mem>>
      %dma_start3A_43 = tpu.memref_slice %arg4[%mul3A_2, %mul3A_41] : memref<10240x128xf32, #tpu.memory_space<hbm>> -> memref<640x64xf32, #tpu.memory_space<hbm>>
      %dma_start3A_44 = arith.constant 0 : i32
      %dma_start3A_45 = tpu.memref_slice %arg9[%mul3A_2, %dma_start3A_44] : memref<10240x64xf32, #tpu.memory_space<vmem_shared>> -> memref<640x64xf32, #tpu.memory_space<vmem_shared>>
      tpu.enqueue_dma source(%dma_start3A_45 : memref<640x64xf32, #tpu.memory_space<vmem_shared>>) target(%dma_start3A_43 : memref<640x64xf32, #tpu.memory_space<hbm>>) target_semaphore(%run_scoped3A_42 : memref<!tpu.dma_semaphore, #tpu.memory_space<semaphore_mem>>)
      %dma_wait3A_46 = tpu.memref_slice %arg4[%mul3A_2, %mul3A_41] : memref<10240x128xf32, #tpu.memory_space<hbm>> -> memref<640x64xf32, #tpu.memory_space<hbm>>
      %dma_wait3A_47 = arith.constant 0 : i32
      %dma_wait3A_48 = tpu.memref_slice %arg9[%mul3A_2, %dma_wait3A_47] : memref<10240x64xf32, #tpu.memory_space<vmem_shared>> -> memref<640x64xf32, #tpu.memory_space<vmem_shared>>
      tpu.wait_dma2 semaphore(%run_scoped3A_42 : memref<!tpu.dma_semaphore, #tpu.memory_space<semaphore_mem>>) src(%dma_wait3A_48 : memref<640x64xf32, #tpu.memory_space<vmem_shared>>) dst(%dma_wait3A_46 : memref<640x64xf32, #tpu.memory_space<hbm>>)
      tpu.yield
    }) : () -> ()
    return
  }
}

#map = affine_map<(d0, d1) -> (0, 0)>
#map1 = affine_map<(d0, d1) -> (0, 0, 0, 0)>
module attributes {stable_mosaic.version = 14 : i64} {
  func.func @k(%arg0: i32, %arg1: i32, %arg2: memref<10240x128xf32, #tpu.memory_space<hbm>>, %arg3: memref<2x32x79x128xi32, #tpu.memory_space<hbm>>, %arg4: memref<10240x128xf32, #tpu.memory_space<hbm>>, %arg5: memref<79x128xi32, #tpu.memory_space<vmem>>, %arg6: memref<79x128xi32, #tpu.memory_space<vmem>>, %arg7: memref<128x48xf32, #tpu.memory_space<vmem>>, %arg8: memref<128x48xf32, #tpu.memory_space<vmem>>, %arg9: memref<10240x48xf32, #tpu.memory_space<vmem_shared>>, %arg10: memref<10240x48xf32, #tpu.memory_space<vmem_shared>>, %arg11: memref<!tpu.dma_semaphore, #tpu.memory_space<semaphore_mem>>, %arg12: memref<!tpu.dma_semaphore, #tpu.memory_space<semaphore_mem>>) attributes {dimension_semantics = [#tpu.dimension_semantics<core_parallel>, #tpu.dimension_semantics<subcore_parallel>], iteration_bounds = array<i64: 2, 16>, scalar_prefetch = 0 : i64, scratch_operands = 8 : i64, tpu.core_type = #tpu.core_type<sc_vector_subcore>, window_params = [{transform_indices = #map}, {transform_indices = #map1}, {transform_indices = #map}]} {
    %mul3A = arith.constant 16 : i32
    %mul3A_0 = arith.muli %arg0, %mul3A : i32
    %add3A = arith.addi %mul3A_0, %arg1 : i32
    %mul3A_1 = arith.constant 640 : i32
    %mul3A_2 = arith.muli %arg1, %mul3A_1 : i32
    %dma_start3A = arith.constant 0 : i32
    %dma_start3A_3 = tpu.memref_slice %arg10[%mul3A_2, %dma_start3A] : memref<10240x48xf32, #tpu.memory_space<vmem_shared>> -> memref<640x48xf32, #tpu.memory_space<vmem_shared>>
    %dma_start3A_4 = arith.constant 0 : i32
    %dma_start3A_5 = tpu.memref_slice %arg2[%mul3A_2, %dma_start3A_4] : memref<10240x128xf32, #tpu.memory_space<hbm>> -> memref<640x48xf32, #tpu.memory_space<hbm>>
    tpu.enqueue_dma source(%dma_start3A_5 : memref<640x48xf32, #tpu.memory_space<hbm>>) target(%dma_start3A_3 : memref<640x48xf32, #tpu.memory_space<vmem_shared>>) target_semaphore(%arg12 : memref<!tpu.dma_semaphore, #tpu.memory_space<semaphore_mem>>)
    %scan3A = arith.constant 0 : i32
    %scan3A_6 = arith.constant 128 : i32
    %scan3A_7 = arith.addi %scan3A, %scan3A_6 : i32
    %scan3A_8 = arith.constant 1 : i32
    scf.for %scan3A_42 = %scan3A to %scan3A_7 step %scan3A_8  : i32 {
      %mul3A_43 = arith.constant 1 : i32
      %mul3A_44 = arith.muli %scan3A_42, %mul3A_43 : i32
      %add3A_45 = arith.constant 0 : i32
      %add3A_46 = arith.addi %add3A_45, %mul3A_44 : i32
      %scan3A_47 = arith.constant 0 : i32
      %scan3A_48 = arith.constant 3 : i32
      %scan3A_49 = arith.addi %scan3A_47, %scan3A_48 : i32
      %scan3A_50 = arith.constant 1 : i32
      scf.for %scan3A_52 = %scan3A_47 to %scan3A_49 step %scan3A_50  : i32 {
        %mul3A_53 = arith.constant 16 : i32
        %mul3A_54 = arith.muli %scan3A_52, %mul3A_53 : i32
        %add3A_55 = arith.constant 0 : i32
        %add3A_56 = arith.addi %add3A_55, %mul3A_54 : i32
        %broadcast_in_dim3A = arith.constant 0.000000e+00 : f32
        %broadcast_in_dim3A_57 = vector.broadcast %broadcast_in_dim3A : f32 to vector<16xf32>
        %swap3A = arith.index_cast %add3A_46 : i32 to index
        %swap3A_58 = arith.index_cast %add3A_56 : i32 to index
        %swap3A_59 = tpu.vector_load %arg7[%swap3A, %swap3A_58] {strides = array<i32>} : memref<128x48xf32, #tpu.memory_space<vmem>>, vector<1x16xf32>,
        %swap3A_60 = vector.shape_cast %swap3A_59 : vector<1x16xf32> to vector<16xf32>
        %swap3A_61 = vector.shape_cast %broadcast_in_dim3A_57 : vector<16xf32> to vector<1x16xf32>
        tpu.vector_store %arg7[%swap3A, %swap3A_58], %swap3A_61 {strides = array<i32>} : memref<128x48xf32, #tpu.memory_space<vmem>>, vector<1x16xf32>,
      }
      %scan3A_51 = arith.constant 3 : i32
    }
    %scan3A_9 = arith.constant 128 : i32
    %scan3A_10 = arith.constant 0 : i32
    %scan3A_11 = arith.constant 5 : i32
    %scan3A_12 = arith.addi %scan3A_10, %scan3A_11 : i32
    %scan3A_13 = arith.constant 1 : i32
    scf.for %scan3A_42 = %scan3A_10 to %scan3A_12 step %scan3A_13  : i32 {
      %mul3A_43 = arith.constant 1 : i32
      %mul3A_44 = arith.muli %scan3A_42, %mul3A_43 : i32
      %add3A_45 = arith.constant 0 : i32
      %add3A_46 = arith.addi %add3A_45, %mul3A_44 : i32
      %mul3A_47 = arith.constant 128 : i32
      %mul3A_48 = arith.muli %add3A_46, %mul3A_47 : i32
      %add3A_49 = arith.addi %mul3A_2, %mul3A_48 : i32
      "tpu.region"() ({
        %run_scoped3A_50 = tpu.sem_alloc : memref<!tpu.dma_semaphore, #tpu.memory_space<semaphore_mem>>
        %dma_start3A_51 = arith.constant 0 : i32
        %dma_start3A_52 = tpu.memref_slice %arg9[%add3A_49, %dma_start3A_51] : memref<10240x48xf32, #tpu.memory_space<vmem_shared>> -> memref<128x48xf32, #tpu.memory_space<vmem_shared>>
        %dma_start3A_53 = arith.constant 0 : i32
        %dma_start3A_54 = tpu.memref_slice %arg9[%add3A_49, %dma_start3A_53] : memref<10240x48xf32, #tpu.memory_space<vmem_shared>> -> memref<128x48xf32, #tpu.memory_space<vmem_shared>>
        tpu.enqueue_dma source(%arg7 : memref<128x48xf32, #tpu.memory_space<vmem>>) target(%dma_start3A_54 : memref<128x48xf32, #tpu.memory_space<vmem_shared>>) target_semaphore(%run_scoped3A_50 : memref<!tpu.dma_semaphore, #tpu.memory_space<semaphore_mem>>)
        %dma_wait3A_55 = arith.constant 0 : i32
        %dma_wait3A_56 = tpu.memref_slice %arg9[%add3A_49, %dma_wait3A_55] : memref<10240x48xf32, #tpu.memory_space<vmem_shared>> -> memref<128x48xf32, #tpu.memory_space<vmem_shared>>
        %dma_wait3A_57 = arith.constant 0 : i32
        %dma_wait3A_58 = tpu.memref_slice %arg9[%add3A_49, %dma_wait3A_57] : memref<10240x48xf32, #tpu.memory_space<vmem_shared>> -> memref<128x48xf32, #tpu.memory_space<vmem_shared>>
        tpu.wait_dma2 semaphore(%run_scoped3A_50 : memref<!tpu.dma_semaphore, #tpu.memory_space<semaphore_mem>>) src(%arg7 : memref<128x48xf32, #tpu.memory_space<vmem>>) dst(%dma_wait3A_58 : memref<128x48xf32, #tpu.memory_space<vmem_shared>>)
        tpu.yield
      }) : () -> ()
    }
    %scan3A_14 = arith.constant 5 : i32
    %run_scoped3A = arith.constant 0 : i32
    "tpu.region"() ({
      %run_scoped3A_42 = tpu.sem_alloc : memref<!tpu.dma_semaphore, #tpu.memory_space<semaphore_mem>>
      %dma_start3A_43 = arith.constant 0 : i32
      %dma_start3A_44 = arith.constant 0 : i32
      %dma_start3A_45 = tpu.memref_slice %arg3[%run_scoped3A, %add3A, %dma_start3A_43, %dma_start3A_44] : memref<2x32x79x128xi32, #tpu.memory_space<hbm>> -> memref<1x1x79x128xi32, #tpu.memory_space<hbm>>
      %dma_start3A_46 = tpu.memref_squeeze %dma_start3A_45 : memref<1x1x79x128xi32, #tpu.memory_space<hbm>> -> memref<79x128xi32, #tpu.memory_space<hbm>>
      %dma_start3A_47 = arith.constant 0 : i32
      %dma_start3A_48 = arith.constant 0 : i32
      %dma_start3A_49 = tpu.memref_slice %arg3[%run_scoped3A, %add3A, %dma_start3A_47, %dma_start3A_48] : memref<2x32x79x128xi32, #tpu.memory_space<hbm>> -> memref<1x1x79x128xi32, #tpu.memory_space<hbm>>
      %dma_start3A_50 = tpu.memref_squeeze %dma_start3A_49 : memref<1x1x79x128xi32, #tpu.memory_space<hbm>> -> memref<79x128xi32, #tpu.memory_space<hbm>>
      tpu.enqueue_dma source(%dma_start3A_50 : memref<79x128xi32, #tpu.memory_space<hbm>>) target(%arg5 : memref<79x128xi32, #tpu.memory_space<vmem>>) target_semaphore(%run_scoped3A_42 : memref<!tpu.dma_semaphore, #tpu.memory_space<semaphore_mem>>)
      %dma_wait3A_51 = arith.constant 0 : i32
      %dma_wait3A_52 = arith.constant 0 : i32
      %dma_wait3A_53 = tpu.memref_slice %arg3[%run_scoped3A, %add3A, %dma_wait3A_51, %dma_wait3A_52] : memref<2x32x79x128xi32, #tpu.memory_space<hbm>> -> memref<1x1x79x128xi32, #tpu.memory_space<hbm>>
      %dma_wait3A_54 = tpu.memref_squeeze %dma_wait3A_53 : memref<1x1x79x128xi32, #tpu.memory_space<hbm>> -> memref<79x128xi32, #tpu.memory_space<hbm>>
      %dma_wait3A_55 = arith.constant 0 : i32
      %dma_wait3A_56 = arith.constant 0 : i32
      %dma_wait3A_57 = tpu.memref_slice %arg3[%run_scoped3A, %add3A, %dma_wait3A_55, %dma_wait3A_56] : memref<2x32x79x128xi32, #tpu.memory_space<hbm>> -> memref<1x1x79x128xi32, #tpu.memory_space<hbm>>
      %dma_wait3A_58 = tpu.memref_squeeze %dma_wait3A_57 : memref<1x1x79x128xi32, #tpu.memory_space<hbm>> -> memref<79x128xi32, #tpu.memory_space<hbm>>
      tpu.wait_dma2 semaphore(%run_scoped3A_42 : memref<!tpu.dma_semaphore, #tpu.memory_space<semaphore_mem>>) src(%dma_wait3A_58 : memref<79x128xi32, #tpu.memory_space<hbm>>) dst(%arg5 : memref<79x128xi32, #tpu.memory_space<vmem>>)
      tpu.yield
    }) : () -> ()
    %run_scoped3A_15 = arith.constant 1 : i32
    "tpu.region"() ({
      %run_scoped3A_42 = tpu.sem_alloc : memref<!tpu.dma_semaphore, #tpu.memory_space<semaphore_mem>>
      %dma_start3A_43 = arith.constant 0 : i32
      %dma_start3A_44 = arith.constant 0 : i32
      %dma_start3A_45 = tpu.memref_slice %arg3[%run_scoped3A_15, %add3A, %dma_start3A_43, %dma_start3A_44] : memref<2x32x79x128xi32, #tpu.memory_space<hbm>> -> memref<1x1x79x128xi32, #tpu.memory_space<hbm>>
      %dma_start3A_46 = tpu.memref_squeeze %dma_start3A_45 : memref<1x1x79x128xi32, #tpu.memory_space<hbm>> -> memref<79x128xi32, #tpu.memory_space<hbm>>
      %dma_start3A_47 = arith.constant 0 : i32
      %dma_start3A_48 = arith.constant 0 : i32
      %dma_start3A_49 = tpu.memref_slice %arg3[%run_scoped3A_15, %add3A, %dma_start3A_47, %dma_start3A_48] : memref<2x32x79x128xi32, #tpu.memory_space<hbm>> -> memref<1x1x79x128xi32, #tpu.memory_space<hbm>>
      %dma_start3A_50 = tpu.memref_squeeze %dma_start3A_49 : memref<1x1x79x128xi32, #tpu.memory_space<hbm>> -> memref<79x128xi32, #tpu.memory_space<hbm>>
      tpu.enqueue_dma source(%dma_start3A_50 : memref<79x128xi32, #tpu.memory_space<hbm>>) target(%arg6 : memref<79x128xi32, #tpu.memory_space<vmem>>) target_semaphore(%run_scoped3A_42 : memref<!tpu.dma_semaphore, #tpu.memory_space<semaphore_mem>>)
      %dma_wait3A_51 = arith.constant 0 : i32
      %dma_wait3A_52 = arith.constant 0 : i32
      %dma_wait3A_53 = tpu.memref_slice %arg3[%run_scoped3A_15, %add3A, %dma_wait3A_51, %dma_wait3A_52] : memref<2x32x79x128xi32, #tpu.memory_space<hbm>> -> memref<1x1x79x128xi32, #tpu.memory_space<hbm>>
      %dma_wait3A_54 = tpu.memref_squeeze %dma_wait3A_53 : memref<1x1x79x128xi32, #tpu.memory_space<hbm>> -> memref<79x128xi32, #tpu.memory_space<hbm>>
      %dma_wait3A_55 = arith.constant 0 : i32
      %dma_wait3A_56 = arith.constant 0 : i32
      %dma_wait3A_57 = tpu.memref_slice %arg3[%run_scoped3A_15, %add3A, %dma_wait3A_55, %dma_wait3A_56] : memref<2x32x79x128xi32, #tpu.memory_space<hbm>> -> memref<1x1x79x128xi32, #tpu.memory_space<hbm>>
      %dma_wait3A_58 = tpu.memref_squeeze %dma_wait3A_57 : memref<1x1x79x128xi32, #tpu.memory_space<hbm>> -> memref<79x128xi32, #tpu.memory_space<hbm>>
      tpu.wait_dma2 semaphore(%run_scoped3A_42 : memref<!tpu.dma_semaphore, #tpu.memory_space<semaphore_mem>>) src(%dma_wait3A_58 : memref<79x128xi32, #tpu.memory_space<hbm>>) dst(%arg6 : memref<79x128xi32, #tpu.memory_space<vmem>>)
      tpu.yield
    }) : () -> ()
    %dma_wait3A = arith.constant 0 : i32
    %dma_wait3A_16 = tpu.memref_slice %arg10[%mul3A_2, %dma_wait3A] : memref<10240x48xf32, #tpu.memory_space<vmem_shared>> -> memref<640x48xf32, #tpu.memory_space<vmem_shared>>
    %dma_wait3A_17 = arith.constant 0 : i32
    %dma_wait3A_18 = tpu.memref_slice %arg2[%mul3A_2, %dma_wait3A_17] : memref<10240x128xf32, #tpu.memory_space<hbm>> -> memref<640x48xf32, #tpu.memory_space<hbm>>
    tpu.wait_dma2 semaphore(%arg12 : memref<!tpu.dma_semaphore, #tpu.memory_space<semaphore_mem>>) src(%dma_wait3A_18 : memref<640x48xf32, #tpu.memory_space<hbm>>) dst(%dma_wait3A_16 : memref<640x48xf32, #tpu.memory_space<vmem_shared>>)
    %barrier3A = arith.constant 0 : index
    tpu.barrier barrier_id(%barrier3A)
    %dma_start3A_19 = arith.constant 0 : i32
    %dma_start3A_20 = arith.constant 0 : i32
    %dma_start3A_21 = tpu.memref_slice %arg5[%dma_start3A_19, %dma_start3A_20] : memref<79x128xi32, #tpu.memory_space<vmem>> -> memref<1x128xi32, #tpu.memory_space<vmem>>
    %dma_start3A_22 = tpu.memref_squeeze %dma_start3A_21 : memref<1x128xi32, #tpu.memory_space<vmem>> -> memref<128xi32, #tpu.memory_space<vmem>>
    %dma_start3A_23 = arith.constant 0 : i32
    %dma_start3A_24 = arith.constant 0 : i32
    %dma_start3A_25 = tpu.memref_slice %arg10[%dma_start3A_23, %dma_start3A_24] : memref<10240x48xf32, #tpu.memory_space<vmem_shared>> -> memref<10240x48xf32, #tpu.memory_space<vmem_shared>>
    tpu.enqueue_indirect_dma source(%dma_start3A_25 : memref<10240x48xf32, #tpu.memory_space<vmem_shared>>) target(%arg7 : memref<128x48xf32, #tpu.memory_space<vmem>>) offsets(%dma_start3A_22 : memref<128xi32, #tpu.memory_space<vmem>>) semaphore(%arg11 : memref<!tpu.dma_semaphore, #tpu.memory_space<semaphore_mem>>)
    %scan3A_26 = arith.constant 0 : i32
    %scan3A_27 = arith.constant 39 : i32
    %scan3A_28 = arith.addi %scan3A_26, %scan3A_27 : i32
    %scan3A_29 = arith.constant 1 : i32
    scf.for %scan3A_42 = %scan3A_26 to %scan3A_28 step %scan3A_29  : i32 {
      %mul3A_43 = arith.constant 1 : i32
      %mul3A_44 = arith.muli %scan3A_42, %mul3A_43 : i32
      %add3A_45 = arith.constant 0 : i32
      %add3A_46 = arith.addi %add3A_45, %mul3A_44 : i32
      %mul3A_47 = arith.constant 2 : i32
      %mul3A_48 = arith.muli %add3A_46, %mul3A_47 : i32
      %add3A_49 = arith.constant 1 : i32
      %add3A_50 = arith.addi %mul3A_48, %add3A_49 : i32
      %dma_start3A_51 = arith.constant 0 : i32
      %dma_start3A_52 = tpu.memref_slice %arg5[%add3A_50, %dma_start3A_51] : memref<79x128xi32, #tpu.memory_space<vmem>> -> memref<1x128xi32, #tpu.memory_space<vmem>>
      %dma_start3A_53 = tpu.memref_squeeze %dma_start3A_52 : memref<1x128xi32, #tpu.memory_space<vmem>> -> memref<128xi32, #tpu.memory_space<vmem>>
      %dma_start3A_54 = arith.constant 0 : i32
      %dma_start3A_55 = arith.constant 0 : i32
      %dma_start3A_56 = tpu.memref_slice %arg10[%dma_start3A_54, %dma_start3A_55] : memref<10240x48xf32, #tpu.memory_space<vmem_shared>> -> memref<10240x48xf32, #tpu.memory_space<vmem_shared>>
      tpu.enqueue_indirect_dma source(%dma_start3A_56 : memref<10240x48xf32, #tpu.memory_space<vmem_shared>>) target(%arg8 : memref<128x48xf32, #tpu.memory_space<vmem>>) offsets(%dma_start3A_53 : memref<128xi32, #tpu.memory_space<vmem>>) semaphore(%arg12 : memref<!tpu.dma_semaphore, #tpu.memory_space<semaphore_mem>>)
      %dma_wait3A_57 = arith.constant 0 : i32
      %dma_wait3A_58 = tpu.memref_slice %arg5[%mul3A_48, %dma_wait3A_57] : memref<79x128xi32, #tpu.memory_space<vmem>> -> memref<1x128xi32, #tpu.memory_space<vmem>>
      %dma_wait3A_59 = tpu.memref_squeeze %dma_wait3A_58 : memref<1x128xi32, #tpu.memory_space<vmem>> -> memref<128xi32, #tpu.memory_space<vmem>>
      %dma_wait3A_60 = arith.constant 0 : i32
      %dma_wait3A_61 = arith.constant 0 : i32
      %dma_wait3A_62 = tpu.memref_slice %arg10[%dma_wait3A_60, %dma_wait3A_61] : memref<10240x48xf32, #tpu.memory_space<vmem_shared>> -> memref<10240x48xf32, #tpu.memory_space<vmem_shared>>
      tpu.wait_indirect_dma semaphore(%arg11 : memref<!tpu.dma_semaphore, #tpu.memory_space<semaphore_mem>>) src(%dma_wait3A_62 : memref<10240x48xf32, #tpu.memory_space<vmem_shared>>) dst(%arg7 : memref<128x48xf32, #tpu.memory_space<vmem>>)
      "tpu.region"() ({
        %run_scoped3A_81 = tpu.sem_alloc : memref<!tpu.dma_semaphore, #tpu.memory_space<semaphore_mem>>
        %dma_start3A_82 = arith.constant 0 : i32
        %dma_start3A_83 = tpu.memref_slice %arg6[%mul3A_48, %dma_start3A_82] : memref<79x128xi32, #tpu.memory_space<vmem>> -> memref<1x128xi32, #tpu.memory_space<vmem>>
        %dma_start3A_84 = tpu.memref_squeeze %dma_start3A_83 : memref<1x128xi32, #tpu.memory_space<vmem>> -> memref<128xi32, #tpu.memory_space<vmem>>
        %dma_start3A_85 = arith.constant 0 : i32
        %dma_start3A_86 = arith.constant 0 : i32
        %dma_start3A_87 = tpu.memref_slice %arg9[%dma_start3A_85, %dma_start3A_86] : memref<10240x48xf32, #tpu.memory_space<vmem_shared>> -> memref<10240x48xf32, #tpu.memory_space<vmem_shared>>
        tpu.enqueue_indirect_dma source(%arg7 : memref<128x48xf32, #tpu.memory_space<vmem>>) target(%dma_start3A_87 : memref<10240x48xf32, #tpu.memory_space<vmem_shared>>) offsets(%dma_start3A_84 : memref<128xi32, #tpu.memory_space<vmem>>) semaphore(%run_scoped3A_81 : memref<!tpu.dma_semaphore, #tpu.memory_space<semaphore_mem>>) {add = true}
        %dma_wait3A_88 = arith.constant 0 : i32
        %dma_wait3A_89 = tpu.memref_slice %arg6[%mul3A_48, %dma_wait3A_88] : memref<79x128xi32, #tpu.memory_space<vmem>> -> memref<1x128xi32, #tpu.memory_space<vmem>>
        %dma_wait3A_90 = tpu.memref_squeeze %dma_wait3A_89 : memref<1x128xi32, #tpu.memory_space<vmem>> -> memref<128xi32, #tpu.memory_space<vmem>>
        %dma_wait3A_91 = arith.constant 0 : i32
        %dma_wait3A_92 = arith.constant 0 : i32
        %dma_wait3A_93 = tpu.memref_slice %arg9[%dma_wait3A_91, %dma_wait3A_92] : memref<10240x48xf32, #tpu.memory_space<vmem_shared>> -> memref<10240x48xf32, #tpu.memory_space<vmem_shared>>
        tpu.wait_indirect_dma semaphore(%run_scoped3A_81 : memref<!tpu.dma_semaphore, #tpu.memory_space<semaphore_mem>>) src(%arg7 : memref<128x48xf32, #tpu.memory_space<vmem>>) dst(%dma_wait3A_93 : memref<10240x48xf32, #tpu.memory_space<vmem_shared>>)
        tpu.yield
      }) : () -> ()
      %add3A_63 = arith.constant 2 : i32
      %add3A_64 = arith.addi %mul3A_48, %add3A_63 : i32
      %dma_start3A_65 = arith.constant 0 : i32
      %dma_start3A_66 = tpu.memref_slice %arg5[%add3A_64, %dma_start3A_65] : memref<79x128xi32, #tpu.memory_space<vmem>> -> memref<1x128xi32, #tpu.memory_space<vmem>>
      %dma_start3A_67 = tpu.memref_squeeze %dma_start3A_66 : memref<1x128xi32, #tpu.memory_space<vmem>> -> memref<128xi32, #tpu.memory_space<vmem>>
      %dma_start3A_68 = arith.constant 0 : i32
      %dma_start3A_69 = arith.constant 0 : i32
      %dma_start3A_70 = tpu.memref_slice %arg10[%dma_start3A_68, %dma_start3A_69] : memref<10240x48xf32, #tpu.memory_space<vmem_shared>> -> memref<10240x48xf32, #tpu.memory_space<vmem_shared>>
      tpu.enqueue_indirect_dma source(%dma_start3A_70 : memref<10240x48xf32, #tpu.memory_space<vmem_shared>>) target(%arg7 : memref<128x48xf32, #tpu.memory_space<vmem>>) offsets(%dma_start3A_67 : memref<128xi32, #tpu.memory_space<vmem>>) semaphore(%arg11 : memref<!tpu.dma_semaphore, #tpu.memory_space<semaphore_mem>>)
      %add3A_71 = arith.constant 1 : i32
      %add3A_72 = arith.addi %mul3A_48, %add3A_71 : i32
      %dma_wait3A_73 = arith.constant 0 : i32
      %dma_wait3A_74 = tpu.memref_slice %arg5[%add3A_72, %dma_wait3A_73] : memref<79x128xi32, #tpu.memory_space<vmem>> -> memref<1x128xi32, #tpu.memory_space<vmem>>
      %dma_wait3A_75 = tpu.memref_squeeze %dma_wait3A_74 : memref<1x128xi32, #tpu.memory_space<vmem>> -> memref<128xi32, #tpu.memory_space<vmem>>
      %dma_wait3A_76 = arith.constant 0 : i32
      %dma_wait3A_77 = arith.constant 0 : i32
      %dma_wait3A_78 = tpu.memref_slice %arg10[%dma_wait3A_76, %dma_wait3A_77] : memref<10240x48xf32, #tpu.memory_space<vmem_shared>> -> memref<10240x48xf32, #tpu.memory_space<vmem_shared>>
      tpu.wait_indirect_dma semaphore(%arg12 : memref<!tpu.dma_semaphore, #tpu.memory_space<semaphore_mem>>) src(%dma_wait3A_78 : memref<10240x48xf32, #tpu.memory_space<vmem_shared>>) dst(%arg8 : memref<128x48xf32, #tpu.memory_space<vmem>>)
      %add3A_79 = arith.constant 1 : i32
      %add3A_80 = arith.addi %mul3A_48, %add3A_79 : i32
      "tpu.region"() ({
        %run_scoped3A_81 = tpu.sem_alloc : memref<!tpu.dma_semaphore, #tpu.memory_space<semaphore_mem>>
        %dma_start3A_82 = arith.constant 0 : i32
        %dma_start3A_83 = tpu.memref_slice %arg6[%add3A_80, %dma_start3A_82] : memref<79x128xi32, #tpu.memory_space<vmem>> -> memref<1x128xi32, #tpu.memory_space<vmem>>
        %dma_start3A_84 = tpu.memref_squeeze %dma_start3A_83 : memref<1x128xi32, #tpu.memory_space<vmem>> -> memref<128xi32, #tpu.memory_space<vmem>>
        %dma_start3A_85 = arith.constant 0 : i32
        %dma_start3A_86 = arith.constant 0 : i32
        %dma_start3A_87 = tpu.memref_slice %arg9[%dma_start3A_85, %dma_start3A_86] : memref<10240x48xf32, #tpu.memory_space<vmem_shared>> -> memref<10240x48xf32, #tpu.memory_space<vmem_shared>>
        tpu.enqueue_indirect_dma source(%arg8 : memref<128x48xf32, #tpu.memory_space<vmem>>) target(%dma_start3A_87 : memref<10240x48xf32, #tpu.memory_space<vmem_shared>>) offsets(%dma_start3A_84 : memref<128xi32, #tpu.memory_space<vmem>>) semaphore(%run_scoped3A_81 : memref<!tpu.dma_semaphore, #tpu.memory_space<semaphore_mem>>) {add = true}
        %dma_wait3A_88 = arith.constant 0 : i32
        %dma_wait3A_89 = tpu.memref_slice %arg6[%add3A_80, %dma_wait3A_88] : memref<79x128xi32, #tpu.memory_space<vmem>> -> memref<1x128xi32, #tpu.memory_space<vmem>>
        %dma_wait3A_90 = tpu.memref_squeeze %dma_wait3A_89 : memref<1x128xi32, #tpu.memory_space<vmem>> -> memref<128xi32, #tpu.memory_space<vmem>>
        %dma_wait3A_91 = arith.constant 0 : i32
        %dma_wait3A_92 = arith.constant 0 : i32
        %dma_wait3A_93 = tpu.memref_slice %arg9[%dma_wait3A_91, %dma_wait3A_92] : memref<10240x48xf32, #tpu.memory_space<vmem_shared>> -> memref<10240x48xf32, #tpu.memory_space<vmem_shared>>
        tpu.wait_indirect_dma semaphore(%run_scoped3A_81 : memref<!tpu.dma_semaphore, #tpu.memory_space<semaphore_mem>>) src(%arg8 : memref<128x48xf32, #tpu.memory_space<vmem>>) dst(%dma_wait3A_93 : memref<10240x48xf32, #tpu.memory_space<vmem_shared>>)
        tpu.yield
      }) : () -> ()
    }
    %scan3A_30 = arith.constant 39 : i32
    %dma_wait3A_31 = arith.constant 78 : i32
    %dma_wait3A_32 = arith.constant 0 : i32
    %dma_wait3A_33 = tpu.memref_slice %arg5[%dma_wait3A_31, %dma_wait3A_32] : memref<79x128xi32, #tpu.memory_space<vmem>> -> memref<1x128xi32, #tpu.memory_space<vmem>>
    %dma_wait3A_34 = tpu.memref_squeeze %dma_wait3A_33 : memref<1x128xi32, #tpu.memory_space<vmem>> -> memref<128xi32, #tpu.memory_space<vmem>>
    %dma_wait3A_35 = arith.constant 0 : i32
    %dma_wait3A_36 = arith.constant 0 : i32
    %dma_wait3A_37 = tpu.memref_slice %arg10[%dma_wait3A_35, %dma_wait3A_36] : memref<10240x48xf32, #tpu.memory_space<vmem_shared>> -> memref<10240x48xf32, #tpu.memory_space<vmem_shared>>
    tpu.wait_indirect_dma semaphore(%arg11 : memref<!tpu.dma_semaphore, #tpu.memory_space<semaphore_mem>>) src(%dma_wait3A_37 : memref<10240x48xf32, #tpu.memory_space<vmem_shared>>) dst(%arg7 : memref<128x48xf32, #tpu.memory_space<vmem>>)
    %run_scoped3A_38 = arith.constant 78 : i32
    "tpu.region"() ({
      %run_scoped3A_42 = tpu.sem_alloc : memref<!tpu.dma_semaphore, #tpu.memory_space<semaphore_mem>>
      %dma_start3A_43 = arith.constant 0 : i32
      %dma_start3A_44 = tpu.memref_slice %arg6[%run_scoped3A_38, %dma_start3A_43] : memref<79x128xi32, #tpu.memory_space<vmem>> -> memref<1x128xi32, #tpu.memory_space<vmem>>
      %dma_start3A_45 = tpu.memref_squeeze %dma_start3A_44 : memref<1x128xi32, #tpu.memory_space<vmem>> -> memref<128xi32, #tpu.memory_space<vmem>>
      %dma_start3A_46 = arith.constant 0 : i32
      %dma_start3A_47 = arith.constant 0 : i32
      %dma_start3A_48 = tpu.memref_slice %arg9[%dma_start3A_46, %dma_start3A_47] : memref<10240x48xf32, #tpu.memory_space<vmem_shared>> -> memref<10240x48xf32, #tpu.memory_space<vmem_shared>>
      tpu.enqueue_indirect_dma source(%arg7 : memref<128x48xf32, #tpu.memory_space<vmem>>) target(%dma_start3A_48 : memref<10240x48xf32, #tpu.memory_space<vmem_shared>>) offsets(%dma_start3A_45 : memref<128xi32, #tpu.memory_space<vmem>>) semaphore(%run_scoped3A_42 : memref<!tpu.dma_semaphore, #tpu.memory_space<semaphore_mem>>) {add = true}
      %dma_wait3A_49 = arith.constant 0 : i32
      %dma_wait3A_50 = tpu.memref_slice %arg6[%run_scoped3A_38, %dma_wait3A_49] : memref<79x128xi32, #tpu.memory_space<vmem>> -> memref<1x128xi32, #tpu.memory_space<vmem>>
      %dma_wait3A_51 = tpu.memref_squeeze %dma_wait3A_50 : memref<1x128xi32, #tpu.memory_space<vmem>> -> memref<128xi32, #tpu.memory_space<vmem>>
      %dma_wait3A_52 = arith.constant 0 : i32
      %dma_wait3A_53 = arith.constant 0 : i32
      %dma_wait3A_54 = tpu.memref_slice %arg9[%dma_wait3A_52, %dma_wait3A_53] : memref<10240x48xf32, #tpu.memory_space<vmem_shared>> -> memref<10240x48xf32, #tpu.memory_space<vmem_shared>>
      tpu.wait_indirect_dma semaphore(%run_scoped3A_42 : memref<!tpu.dma_semaphore, #tpu.memory_space<semaphore_mem>>) src(%arg7 : memref<128x48xf32, #tpu.memory_space<vmem>>) dst(%dma_wait3A_54 : memref<10240x48xf32, #tpu.memory_space<vmem_shared>>)
      tpu.yield
    }) : () -> ()
    %barrier3A_39 = arith.constant 0 : index
    tpu.barrier barrier_id(%barrier3A_39)
    %mul3A_40 = arith.constant 48 : i32
    %mul3A_41 = arith.muli %arg0, %mul3A_40 : i32
    "tpu.region"() ({
      %run_scoped3A_42 = tpu.sem_alloc : memref<!tpu.dma_semaphore, #tpu.memory_space<semaphore_mem>>
      %dma_start3A_43 = tpu.memref_slice %arg4[%mul3A_2, %mul3A_41] : memref<10240x128xf32, #tpu.memory_space<hbm>> -> memref<640x48xf32, #tpu.memory_space<hbm>>
      %dma_start3A_44 = arith.constant 0 : i32
      %dma_start3A_45 = tpu.memref_slice %arg9[%mul3A_2, %dma_start3A_44] : memref<10240x48xf32, #tpu.memory_space<vmem_shared>> -> memref<640x48xf32, #tpu.memory_space<vmem_shared>>
      tpu.enqueue_dma source(%dma_start3A_45 : memref<640x48xf32, #tpu.memory_space<vmem_shared>>) target(%dma_start3A_43 : memref<640x48xf32, #tpu.memory_space<hbm>>) target_semaphore(%run_scoped3A_42 : memref<!tpu.dma_semaphore, #tpu.memory_space<semaphore_mem>>)
      %dma_wait3A_46 = tpu.memref_slice %arg4[%mul3A_2, %mul3A_41] : memref<10240x128xf32, #tpu.memory_space<hbm>> -> memref<640x48xf32, #tpu.memory_space<hbm>>
      %dma_wait3A_47 = arith.constant 0 : i32
      %dma_wait3A_48 = tpu.memref_slice %arg9[%mul3A_2, %dma_wait3A_47] : memref<10240x48xf32, #tpu.memory_space<vmem_shared>> -> memref<640x48xf32, #tpu.memory_space<vmem_shared>>
      tpu.wait_dma2 semaphore(%run_scoped3A_42 : memref<!tpu.dma_semaphore, #tpu.memory_space<semaphore_mem>>) src(%dma_wait3A_48 : memref<640x48xf32, #tpu.memory_space<vmem_shared>>) dst(%dma_wait3A_46 : memref<640x48xf32, #tpu.memory_space<hbm>>)
      tpu.yield
    }) : () -> ()
    return
  }
}

module attributes {stable_mosaic.version = 14 : i64} {
  func.func @_mid_body(%arg0: i32, %arg1: memref<10240x128xf32, #tpu.memory_space<vmem>>, %arg2: memref<48x64xf32, #tpu.memory_space<vmem>>, %arg3: memref<8x48xf32, #tpu.memory_space<vmem>>, %arg4: memref<10240x128xf32, #tpu.memory_space<vmem>>) attributes {dimension_semantics = [#tpu.dimension_semantics<arbitrary>], iteration_bounds = array<i64: 1>, scalar_prefetch = 0 : i64, scratch_operands = 0 : i64, tpu.core_type = #tpu.core_type<tc>, window_params = [{pipeline_mode = #tpu.pipeline_mode<synchronous>, transform_indices = @transform_0, window_bounds = array<i64: 10240, 128>}, {pipeline_mode = #tpu.pipeline_mode<synchronous>, transform_indices = @transform_1, window_bounds = array<i64: 48, 64>}, {pipeline_mode = #tpu.pipeline_mode<synchronous>, transform_indices = @transform_2, window_bounds = array<i64: 8, 48>}, {pipeline_mode = #tpu.pipeline_mode<synchronous>, transform_indices = @transform_3, window_bounds = array<i64: 10240, 128>}]} {
    %get3A = arith.constant 0 : index
    %get3A_0 = arith.constant 0 : index
    %get3A_1 = vector.load %arg1[%get3A, %get3A_0] : memref<10240x128xf32, #tpu.memory_space<vmem>>, vector<10240x128xf32>
    %slice3A = vector.extract_strided_slice %get3A_1 {offsets = [0, 0], sizes = [10240, 64], strides = [1, 1]} : vector<10240x128xf32> to vector<10240x64xf32>
    %slice3A_2 = vector.extract_strided_slice %get3A_1 {offsets = [0, 64], sizes = [10240, 64], strides = [1, 1]} : vector<10240x128xf32> to vector<10240x64xf32>
    %add3A = arith.addf %slice3A, %slice3A_2 : vector<10240x64xf32>
    %gt3A = arith.constant 0.000000e+00 : f32
    %gt3A_3 = vector.broadcast %gt3A : f32 to vector<10240x64xf32>
    %gt3A_4 = arith.cmpf ogt, %add3A, %gt3A_3 : vector<10240x64xf32>
    %min3A = arith.constant 0.000000e+00 : f32
    %min3A_5 = vector.broadcast %min3A : f32 to vector<10240x64xf32>
    %min3A_6 = arith.minimumf %add3A, %min3A_5 : vector<10240x64xf32>
    %exp3A = math.exp %min3A_6 : vector<10240x64xf32>
    %sub3A = arith.constant 1.000000e+00 : f32
    %sub3A_7 = vector.broadcast %sub3A : f32 to vector<10240x64xf32>
    %sub3A_8 = arith.subf %exp3A, %sub3A_7 : vector<10240x64xf32>
    %select_n3A = arith.select %gt3A_4, %add3A, %sub3A_8 : vector<10240x64xi1>, vector<10240x64xf32>
    %get3A_9 = arith.constant 0 : index
    %get3A_10 = arith.constant 0 : index
    %get3A_11 = vector.load %arg2[%get3A_9, %get3A_10] : memref<48x64xf32, #tpu.memory_space<vmem>>, vector<48x64xf32>
    %dot_general3A = arith.constant dense<0.000000e+00> : vector<10240x48xf32>
    %dot_general3A_12 = tpu.matmul %select_n3A, %get3A_11, %dot_general3A {dimension_numbers = #tpu.dot_dimension_numbers<[1], [1], [0], [0], [0, 0, 1, 0], [], []>, transpose_lhs_hint = false} : vector<10240x64xf32>, vector<48x64xf32>, vector<10240x48xf32> -> vector<10240x48xf32>
    %get3A_13 = arith.constant 0 : index
    %get3A_14 = arith.constant 0 : index
    %get3A_15 = vector.load %arg3[%get3A_13, %get3A_14] : memref<8x48xf32, #tpu.memory_space<vmem>>, vector<1x48xf32>
    %get3A_16 = vector.shape_cast %get3A_15 : vector<1x48xf32> to vector<48xf32>
    %broadcast_in_dim3A = vector.shape_cast %get3A_16 : vector<48xf32> to vector<1x48xf32>
    %add3A_17 = vector.broadcast %broadcast_in_dim3A : vector<1x48xf32> to vector<10240x48xf32>
    %add3A_18 = arith.addf %dot_general3A_12, %add3A_17 : vector<10240x48xf32>
    %swap3A = arith.constant 0 : index
    %swap3A_19 = arith.constant 0 : index
    %swap3A_20 = vector.load %arg4[%swap3A, %swap3A_19] : memref<10240x128xf32, #tpu.memory_space<vmem>>, vector<10240x48xf32>
    tpu.vector_store %arg4[%swap3A, %swap3A_19], %add3A_18 {strides = array<i32>} : memref<10240x128xf32, #tpu.memory_space<vmem>>, vector<10240x48xf32>,
    return
  }
  func.func @transform_0(%arg0: i32) -> (i32, i32) {
    %c0_i32 = arith.constant 0 : i32
    %c0_i32_0 = arith.constant 0 : i32
    %c0_i32_1 = arith.constant 0 : i32
    return %c0_i32, %c0_i32_0 : i32, i32
  }
  func.func @transform_1(%arg0: i32) -> (i32, i32) {
    %c0_i32 = arith.constant 0 : i32
    %c0_i32_0 = arith.constant 0 : i32
    %c0_i32_1 = arith.constant 0 : i32
    return %c0_i32, %c0_i32_0 : i32, i32
  }
  func.func @transform_2(%arg0: i32) -> (i32, i32) {
    %c0_i32 = arith.constant 0 : i32
    %c0_i32_0 = arith.constant 0 : i32
    %c0_i32_1 = arith.constant 0 : i32
    return %c0_i32, %c0_i32_0 : i32, i32
  }
  func.func @transform_3(%arg0: i32) -> (i32, i32) {
    %c0_i32 = arith.constant 0 : i32
    %c0_i32_0 = arith.constant 0 : i32
    %c0_i32_1 = arith.constant 0 : i32
    return %c0_i32, %c0_i32_0 : i32, i32
  }
}

module attributes {stable_mosaic.version = 14 : i64} {
  func.func @_mm1_body(%arg0: i32, %arg1: memref<10000x128xf32, #tpu.memory_space<vmem>>, %arg2: memref<64x128xf32, #tpu.memory_space<vmem>>, %arg3: memref<8x64xf32, #tpu.memory_space<vmem>>, %arg4: memref<10240x128xf32, #tpu.memory_space<vmem>>) attributes {dimension_semantics = [#tpu.dimension_semantics<arbitrary>], iteration_bounds = array<i64: 1>, scalar_prefetch = 0 : i64, scratch_operands = 0 : i64, tpu.core_type = #tpu.core_type<tc>, window_params = [{pipeline_mode = #tpu.pipeline_mode<synchronous>, transform_indices = @transform_0, window_bounds = array<i64: 10000, 128>}, {pipeline_mode = #tpu.pipeline_mode<synchronous>, transform_indices = @transform_1, window_bounds = array<i64: 64, 128>}, {pipeline_mode = #tpu.pipeline_mode<synchronous>, transform_indices = @transform_2, window_bounds = array<i64: 8, 64>}, {pipeline_mode = #tpu.pipeline_mode<synchronous>, transform_indices = @transform_3, window_bounds = array<i64: 10240, 128>}]} {
    %get3A = arith.constant 0 : index
    %get3A_0 = arith.constant 0 : index
    %get3A_1 = vector.load %arg1[%get3A, %get3A_0] : memref<10000x128xf32, #tpu.memory_space<vmem>>, vector<10000x128xf32>
    %get3A_2 = arith.constant 0 : index
    %get3A_3 = arith.constant 0 : index
    %get3A_4 = vector.load %arg2[%get3A_2, %get3A_3] : memref<64x128xf32, #tpu.memory_space<vmem>>, vector<64x128xf32>
    %dot_general3A = arith.constant dense<0.000000e+00> : vector<10000x64xf32>
    %dot_general3A_5 = tpu.matmul %get3A_1, %get3A_4, %dot_general3A {dimension_numbers = #tpu.dot_dimension_numbers<[1], [1], [0], [0], [0, 0, 1, 0], [], []>, transpose_lhs_hint = false} : vector<10000x128xf32>, vector<64x128xf32>, vector<10000x64xf32> -> vector<10000x64xf32>
    %get3A_6 = arith.constant 0 : index
    %get3A_7 = arith.constant 0 : index
    %get3A_8 = vector.load %arg3[%get3A_6, %get3A_7] : memref<8x64xf32, #tpu.memory_space<vmem>>, vector<1x64xf32>
    %get3A_9 = vector.shape_cast %get3A_8 : vector<1x64xf32> to vector<64xf32>
    %broadcast_in_dim3A = vector.shape_cast %get3A_9 : vector<64xf32> to vector<1x64xf32>
    %add3A = vector.broadcast %broadcast_in_dim3A : vector<1x64xf32> to vector<10000x64xf32>
    %add3A_10 = arith.addf %dot_general3A_5, %add3A : vector<10000x64xf32>
    %swap3A = arith.constant 0 : index
    %swap3A_11 = arith.constant 0 : index
    %swap3A_12 = vector.load %arg4[%swap3A, %swap3A_11] : memref<10240x128xf32, #tpu.memory_space<vmem>>, vector<10000x64xf32>
    tpu.vector_store %arg4[%swap3A, %swap3A_11], %add3A_10 {strides = array<i32>} : memref<10240x128xf32, #tpu.memory_space<vmem>>, vector<10000x64xf32>,
    return
  }
  func.func @transform_0(%arg0: i32) -> (i32, i32) {
    %c0_i32 = arith.constant 0 : i32
    %c0_i32_0 = arith.constant 0 : i32
    %c0_i32_1 = arith.constant 0 : i32
    return %c0_i32, %c0_i32_0 : i32, i32
  }
  func.func @transform_1(%arg0: i32) -> (i32, i32) {
    %c0_i32 = arith.constant 0 : i32
    %c0_i32_0 = arith.constant 0 : i32
    %c0_i32_1 = arith.constant 0 : i32
    return %c0_i32, %c0_i32_0 : i32, i32
  }
  func.func @transform_2(%arg0: i32) -> (i32, i32) {
    %c0_i32 = arith.constant 0 : i32
    %c0_i32_0 = arith.constant 0 : i32
    %c0_i32_1 = arith.constant 0 : i32
    return %c0_i32, %c0_i32_0 : i32, i32
  }
  func.func @transform_3(%arg0: i32) -> (i32, i32) {
    %c0_i32 = arith.constant 0 : i32
    %c0_i32_0 = arith.constant 0 : i32
    %c0_i32_1 = arith.constant 0 : i32
    return %c0_i32, %c0_i32_0 : i32, i32
  }
}

module attributes {stable_mosaic.version = 14 : i64} {
  func.func @_final_body(%arg0: i32, %arg1: memref<10000x128xf32, #tpu.memory_space<vmem>>, %arg2: memref<10000x40xf32, #tpu.memory_space<vmem>>) attributes {dimension_semantics = [#tpu.dimension_semantics<arbitrary>], iteration_bounds = array<i64: 1>, scalar_prefetch = 0 : i64, scratch_operands = 0 : i64, tpu.core_type = #tpu.core_type<tc>, window_params = [{transform_indices = @transform_0, window_bounds = array<i64: 10000, 128>}, {pipeline_mode = #tpu.pipeline_mode<synchronous>, transform_indices = @transform_1, window_bounds = array<i64: 10000, 40>}]} {
    %get3A = arith.constant 0 : index
    %get3A_0 = arith.constant 0 : index
    %get3A_1 = vector.load %arg1[%get3A, %get3A_0] : memref<10000x128xf32, #tpu.memory_space<vmem>>, vector<10000x128xf32>
    %slice3A = vector.extract_strided_slice %get3A_1 {offsets = [0, 0], sizes = [10000, 40], strides = [1, 1]} : vector<10000x128xf32> to vector<10000x40xf32>
    %slice3A_2 = vector.extract_strided_slice %get3A_1 {offsets = [0, 48], sizes = [10000, 40], strides = [1, 1]} : vector<10000x128xf32> to vector<10000x40xf32>
    %add3A = arith.addf %slice3A, %slice3A_2 : vector<10000x40xf32>
    %reduce_max3A = arith.constant dense<0xFF800000> : vector<10000xf32>
    %reduce_max3A_3 = vector.multi_reduction <maximumf>, %add3A, %reduce_max3A [1] : vector<10000x40xf32> to vector<10000xf32>
    %broadcast_in_dim3A = vector.shape_cast %reduce_max3A_3 : vector<10000xf32> to vector<10000x1xf32>
    %sub3A = vector.broadcast %broadcast_in_dim3A : vector<10000x1xf32> to vector<10000x40xf32>
    %sub3A_4 = arith.subf %add3A, %sub3A : vector<10000x40xf32>
    %exp3A = math.exp %sub3A_4 : vector<10000x40xf32>
    %reduce_sum3A = arith.constant dense<0.000000e+00> : vector<10000xf32>
    %reduce_sum3A_5 = vector.multi_reduction <add>, %exp3A, %reduce_sum3A [1] : vector<10000x40xf32> to vector<10000xf32>
    %broadcast_in_dim3A_6 = vector.shape_cast %reduce_sum3A_5 : vector<10000xf32> to vector<10000x1xf32>
    %log3A = math.log %broadcast_in_dim3A_6 : vector<10000x1xf32>
    %add3A_7 = arith.addf %log3A, %broadcast_in_dim3A : vector<10000x1xf32>
    %sub3A_8 = vector.broadcast %add3A_7 : vector<10000x1xf32> to vector<10000x40xf32>
    %sub3A_9 = arith.subf %add3A, %sub3A_8 : vector<10000x40xf32>
    %swap3A = arith.constant 0 : index
    %swap3A_10 = arith.constant 0 : index
    %swap3A_11 = vector.load %arg2[%swap3A, %swap3A_10] : memref<10000x40xf32, #tpu.memory_space<vmem>>, vector<10000x40xf32>
    tpu.vector_store %arg2[%swap3A, %swap3A_10], %sub3A_9 {strides = array<i32>} : memref<10000x40xf32, #tpu.memory_space<vmem>>, vector<10000x40xf32>,
    return
  }
  func.func @transform_0(%arg0: i32) -> (i32, i32) {
    %c0_i32 = arith.constant 0 : i32
    %c0_i32_0 = arith.constant 0 : i32
    %c0_i32_1 = arith.constant 0 : i32
    return %c0_i32, %c0_i32_0 : i32, i32
  }
  func.func @transform_1(%arg0: i32) -> (i32, i32) {
    %c0_i32 = arith.constant 0 : i32
    %c0_i32_0 = arith.constant 0 : i32
    %c0_i32_1 = arith.constant 0 : i32
    return %c0_i32, %c0_i32_0 : i32, i32
  }
}

</mosaic_0001>

<sc_bundles>
// kernel: kernel.10.cloned.1.call-start
scs
__scs_entry_jumppad:
0x0: {  	(pc) =	sbr.rel $0x88, $3  }
0x1: {  	(tag) =	ssettag $0x0;
	lr =	simm.s32 $0x1  }
0x2: {  	[smem:$0x3F9B] =	sst lr;
	_ =	strace $0xD0000000  }
0x3: {  	_ = 	snop  }
0x4: {  	_ = 	snop  }
0x5: {  	_ = 	snop  }
0x6: {  	_ = 	snop  }
0x7: {  	_ = 	snop  }
__scs_overlays_trampoline_lowered:
0x8: {  	[smem:$0x3FAA] =	sst s0  }
0x9: {  	[smem:$0x3FAB] =	sst s1  }
0xa: {  	[smem:$0x3FAC] =	sst s2  }
0xb: {  	[smem:$0x3FAD] =	sst s3  }
0xc: {  	[smem:$0x3FAE] =	sst s4  }
0xd: {  	[smem:$0x3FAF] =	sst s5  }
0xe: {  	[smem:$0x3FB0] =	sst s6  }
0xf: {  	[smem:$0x3FB1] =	sst s7  }
0x10: {  	[smem:$0x3FB2] =	sst s8  }
0x11: {  	[smem:$0x3FB3] =	sst s9;
	s0 =	simm.s32 @!p0 $0x0  }
0x12: {  	s1 =	sld [smem:$0x3F99];
	s0 =	simm.s32 @p0 $0x1  }
0x13: {  	[smem:$0x3FB4] =	sst s0;
	s0 =	simm.s32 @!p1 $0x0  }
0x14: {  	s2 =	sld [smem:$0x3F98];
	s0 =	simm.s32 @p1 $0x1  }
0x15: {  	[smem:$0x3FB5] =	sst s0;
	s0 =	simm.s32 @!p2 $0x0  }
0x16: {  	s3 =	sld [smem:$0x3FDB];
	s0 =	simm.s32 @p2 $0x1  }
0x17: {  	s4 =	simm.s32 $0x1BF5;
	[smem:$0x3FB7] =	sst s0  }
0x18: {  	s0 =	sld [smem:$0x3F9A];
	_ =	swait.ge [sflag:s4], $0x0  }
0x19: {  	s7 =	sld [smem:$0x3F9B]  }
0x1a: {  	s8 =	sadd.s32 $0xFFFFE003, lr  }
0x1b: {  	s9 =	sadd.s32 $0xFFFFFEF7, lr;
	s5 =	simm.s32 $0xFFFFFFFF;
	p2 =	slt.u32 s8, $0xFFFFF086  }
0x1c: {  	p1 =	slt.u32 s9, $0xF7A;
	s5 =	simm.s32 @!p2 $0x0  }
0x1d: {  	s5 =	simm.s32 @p1 $0x1;
	p0 =	seq.s32 s7, s2  }
0x1e: {  	s7 =	smul.u32 @!p0 $0xF7A, s2;
	p2 =	seq.s32 @!p0 s5, $0x0  }
0x1f: {  	s9 =	smul.u32 $0xF7A, s1;
	s8 =	simm.s32 @!p0 $0x1BF5;
	p2 =	por !p2, p0  }
0x20: {  	[sflag:s8] =	ssyncset.s32 @!p0 $0xFFFFF086;
	s6 =	sadd.s32 @!p0 s3, s7;
	s7 =	simm.s32 @!p0 $0x108  }
0x21: {  	s3 =	sadd.s32 s3, s9;
	s6 =	sadd.s32 @!p0 $0x88, s6;
	s7 =	simm.s32 @p2 $0x1082  }
0x22: {  	[simem:s7], [sflag:s8] =	dma.local @!p0 [hbm:s6], $0xF7A  }
0x23: {  	s9 =	sor.u32 $0xD0000000, s2;
	s6 =	simm.s32 $0x108;
	_ =	swait.ge @!p0 [sflag:s8], $0x0  }
0x24: {  	s3 =	sadd.s32 $0x88, s3;
	s6 =	simm.s32 @!p1 $0x1082;
	[sflag:s4] =	ssyncset.s32 $0xFFFFF086  }
0x25: {  	[simem:s6], [sflag:s4] =	dma.local [hbm:s3], $0xF7A  }
0x26: {  	[smem:$0x3F9B] =	sst s1;
	(tag) =	ssettag s2;
	_ =	strace s9  }
0x27: {  	s1 =	sld [smem:$0x3FAB]  }
0x28: {  	s2 =	sld [smem:$0x3FAC]  }
0x29: {  	s4 =	sld [smem:$0x3FAE]  }
0x2a: {  	p0 =	seq.s32 s5, $0x0;
	s5 =	sld [smem:$0x3FAF]  }
0x2b: {  	s6 =	sld [smem:$0x3FB0]  }
0x2c: {  	s7 =	sld [smem:$0x3FB1]  }
0x2d: {  	s3 =	simm.s32 $0x108;
	s8 =	sld [smem:$0x3FB2]  }
0x2e: {  	s3 =	simm.s32 @!p0 $0x1082;
	s9 =	sld [smem:$0x3FB3]  }
0x2f: {  	lr =	sadd.s32 s0, s3;
	s0 =	sld [smem:$0x3FAA]  }
0x30: {  	s3 =	sld [smem:$0x3FAD]  }
0x31: {  	[smem:$0x3FB6] =	sst s10  }
0x32: {  	s10 =	sld [smem:$0x3FB4];
	_ =	sdelay $0x3  }
0x33: {  	p0 =	seq.s32 s10, $0x1;
	s10 =	sld [smem:$0x3FB6];
	_ =	sdelay $0x3  }
0x34: {  	[smem:$0x3FB6] =	sst s10  }
0x35: {  	s10 =	sld [smem:$0x3FB5];
	_ =	sdelay $0x3  }
0x36: {  	p1 =	seq.s32 s10, $0x1;
	s10 =	sld [smem:$0x3FB6];
	_ =	sdelay $0x3  }
0x37: {  	[smem:$0x3FB6] =	sst s10  }
0x38: {  	s10 =	sld [smem:$0x3FB7]  }
0x39: {  	_ = 	snop;
	(pc) =	sbr.ind lr, $3  }
0x3a: {  	_ = 	snop  }
0x3b: {  	_ = 	snop  }
0x3c: {  	p2 =	seq.s32 s10, $0x1;
	s10 =	sld [smem:$0x3FB6]  }
0x3d: {  	_ =	shalt  }
0x3e: {  	_ =	shalt  }
0x3f: {  	_ =	shalt  }
0x40: {  	_ =	shalt  }
0x41: {  	_ =	shalt  }
0x42: {  	_ =	shalt  }
0x43: {  	_ =	shalt  }
0x44: {  	_ =	shalt  }
0x45: {  	_ =	shalt  }
0x46: {  	_ =	shalt  }
0x47: {  	_ =	shalt  }
0x48: {  	_ =	shalt  }
0x49: {  	_ =	shalt  }
0x4a: {  	_ =	shalt  }
0x4b: {  	_ =	shalt  }
0x4c: {  	_ =	shalt  }
0x4d: {  	_ =	shalt  }
0x4e: {  	_ =	shalt  }
0x4f: {  	_ =	shalt  }
0x50: {  	_ =	shalt  }
0x51: {  	_ =	shalt  }
0x52: {  	_ =	shalt  }
0x53: {  	_ =	shalt  }
0x54: {  	_ =	shalt  }
0x55: {  	_ =	shalt  }
0x56: {  	_ =	shalt  }
0x57: {  	_ =	shalt  }
0x58: {  	_ =	shalt  }
0x59: {  	_ =	shalt  }
0x5a: {  	_ =	shalt  }
0x5b: {  	_ =	shalt  }
0x5c: {  	_ =	shalt  }
0x5d: {  	_ =	shalt  }
0x5e: {  	_ =	shalt  }
0x5f: {  	_ =	shalt  }
0x60: {  	_ =	shalt  }
0x61: {  	_ =	shalt  }
0x62: {  	_ =	shalt  }
0x63: {  	_ =	shalt  }
0x64: {  	_ =	shalt  }
0x65: {  	_ =	shalt  }
0x66: {  	_ =	shalt  }
0x67: {  	_ =	shalt  }
0x68: {  	_ =	shalt  }
0x69: {  	_ =	shalt  }
0x6a: {  	_ =	shalt  }
0x6b: {  	_ =	shalt  }
0x6c: {  	_ =	shalt  }
0x6d: {  	_ =	shalt  }
0x6e: {  	_ =	shalt  }
0x6f: {  	_ =	shalt  }
0x70: {  	_ =	shalt  }
0x71: {  	_ =	shalt  }
0x72: {  	_ =	shalt  }
0x73: {  	_ =	shalt  }
0x74: {  	_ =	shalt  }
0x75: {  	_ =	shalt  }
0x76: {  	_ =	shalt  }
0x77: {  	_ =	shalt  }
0x78: {  	_ =	shalt  }
0x79: {  	_ =	shalt  }
0x7a: {  	_ =	shalt  }
0x7b: {  	_ =	shalt  }
0x7c: {  	_ =	shalt  }
0x7d: {  	_ =	shalt  }
0x7e: {  	_ =	shalt  }
0x7f: {  	_ =	shalt  }
0x80: {  	_ =	shalt  }
0x81: {  	_ =	shalt  }
0x82: {  	_ =	shalt  }
0x83: {  	_ =	shalt  }
0x84: {  	_ =	shalt  }
0x85: {  	_ =	shalt  }
0x86: {  	_ =	shalt  }
0x87: {  	_ =	shalt  }
.Lfunc_end0:
.L_simem_size_0:
called_computation.1_lowered:
.L_overlay_start_0:
0x88: {  	s2 =	sld [smem:$0x3FD9]  }
0x89: {  	s3 =	sld [smem:$0x3FFE];
	_ =	sdelay $0x1  }
0x8a: {  	s1 =	srdreg.scid  }
0x8b: {  	s0 =	sand.u32 $0x1, s1  }
0x8c: {  	s16 =	sshll.u32 s0, $0xA;
	s2 =	sadd.s32 s3, s2  }
0x8d: {  	s2 =	sadd.s32 s2, s16  }
0x8e: {  	[smem:$0x3FC2] =	sst s2  }
0x8f: {  	_ = 	snop  }
0x90: {  	(tm) =	ssettm $0x1  }
0x91: {  	s17 =	sld [smem:$0x3FFB];
	_ =	sdelay $0x3  }
0x92: {  	_ =	strace s17  }
0x93: {  	s2 =	sld [smem:$0x3FFC];
	_ =	sdelay $0x3  }
0x94: {  	_ =	strace s2  }
0x95: {  	s2 =	sld [smem:$0x3FFD];
	_ =	sdelay $0x3  }
0x96: {  	_ =	strace s2  }
0x97: {  	_ =	strace $0x8FFFFFFF  }
0x98: {  	s18 =	sld [smem:$0x3FDB];
	_ =	sdelay $0x1  }
0x99: {  	s19 =	simm.s32 $_scs_section_size  }
0x9a: {  	s4 =	simm.s32 $_size__tile_overlayer_lowered;
	s5 =	simm.s32 $_tile_overlayer_lowered  }
0x9b: {  	s22 =	simm.s32 $0x1BFF;
	s21 =	sshll.u32 s5, $0x1;
	s2 =	sadd.s32 s19, s18  }
0x9c: {  	s6 =	simm.s32 $0x0;
	s20 =	sshll.u32 s4, $0x1;
	s4 =	sadd.s32 s21, s2  }
0x9d: {  	[timem:s6], [sflag:s22] =	dma.local [hbm:s4], s20  }
0x9e: {  	_ =	swait.ge [sflag:s22], s20  }
0x9f: {  	s3 =	ssub.s32 $0x0, s20;
	[sflag:s22] =	ssyncset.done $0x0  }
0xa0: {  	[sflag:s22] =	ssyncadd.s32 s3;
	_ =	sdelay $0x1  }
0xa1: {  	s23 =	simm.s32 $0x1B8B  }
0xa2: {  	_ =	swait.ge [sflag:s23], $0x1  }
0xa3: {  	[sflag:s23] =	ssyncset.done $0x0  }
0xa4: {  	s25 =	simm.s32 $0x1B8E;
	s24 =	sld [smem:$0x3FFE];
	[sflag:s23] =	ssyncadd.s32 $0xFFFFFFFF  }
0xa5: {  	s26 =	simm.s32 $execute0_lowered;
	[smem:$0x3FD2] =	sst s25  }
0xa6: {  	s4 =	sshll.u32 s26, $0x1;
	_ =	strace $0x80000049;
	[dreg:$0x1] =	wrdreg $0xFFFFFFFF  }
0xa7: {  	s28 =	simm.s32 $_size_execute0_lowered;
	s2 =	sadd.s32 s2, s4;
	[dreg:$0x0] =	wrdreg $0x0  }
0xa8: {  	s4 =	sshll.u32 s28, $0x1;
	[dreg:$0x2] =	wrdreg s2  }
0xa9: {  	[dreg:$0x3] =	wrdreg s4  }
0xaa: {  	[dreg:$0x4] =	wrdreg $0xC0  }
0xab: {  	_ =	task [dreg:s6], $0x5FFFF  }
0xac: {  	[dreg:$0x1] =	wrdreg $0xFFFFFFFF  }
0xad: {  	[dreg:$0x0] =	wrdreg $0x60  }
0xae: {  	[dreg:$0x2] =	wrdreg s24  }
0xaf: {  	[dreg:$0x3] =	wrdreg $0xF7000  }
0xb0: {  	[dreg:$0x4] =	wrdreg $0x7F000  }
0xb1: {  	[dreg:$0x5] =	wrdreg $0x9  }
0xb2: {  	_ =	task.clear_ibuf [dreg:s6], $0x6FFFF;
	_ =	strace $0x90000049  }
0xb3: {  	s29 =	simm.s32 $0x9;
	_ =	strace $0x8000004B  }
0xb4: {  	_ =	swait.ge [sflag:s29], $0x1  }
0xb5: {  	[sflag:s29] =	ssyncadd.s32 $0xFFFFFFFF  }
0xb6: {  	_ =	strace $0x9000004B  }
0xb7: {  	_ =	sfence  }
0xb8: {  	s30 =	sld [smem:$0x0];
	_ =	sdelay $0x2  }
0xb9: {  	s31 =	sshll.u32 s1, $0xD;
	s1 =	sshrl.u32 s1, $0x2  }
0xba: {  	s3 =	sand.u32 $0x4000, s31;
	s1 =	sadd.s32 s1, s30  }
0xbb: {  	s0 =	sor.u32 s3, s0;
	s1 =	sshll.u32 s1, $0x11  }
0xbc: {  	s0 =	sor.u32 s1, s0  }
0xbd: {  	s0 =	sadd.s32 $0x8F2B, s0  }
0xbe: {  	[sflag:s0] =	ssyncadd.remote.s32 $0x1  }
0xbf: {  	_ =	sfence.sel $0xFFFF  }
0xc0: {  	[dreg:$0x0] =	wrdreg $0xFFFFFFFF;
	(pc) =	sbr.abs _section_cstart, $3  }
0xc1: {  	[dreg:$0x1] =	wrdreg $0xFFFFFFFF  }
0xc2: {  	_ =	task.clear_ibuf [dreg:s6], $0x2FFFF;
	_ =	strace $0x9FFFFFFF  }
0xc3: {  	(tm) =	ssettm $0x7FFFFFFF  }
tec
execute0_lowered:
.L_overlay_start_1:
0x0: {  	(tag) =	ssettag $0x1  }
0x1: {  	s0 =	srdreg.scid;
	s5 =	rddreg [dreg:$0x0]  }
0x2: {  	s2 =	rddreg [dreg:$0x1];
	s26 =	stileid.u32  }
0x3: {  	s3 =	rddreg [dreg:$0x2];
	s4 =	simm.s32 $0x0;
	s18 =	simm.s32 $0x1  }
0x4: {  	s19 =	simm.s32 $0x6;
	s20 =	simm.s32 $0x10;
	s21 =	simm.s32 $0x4F00  }
0x5: {  	s22 =	simm.s32 $0x3;
	s24 =	simm.s32 $0x2;
	s7 =	smul.u32 $0x14000, s26  }
0x6: {  	s28 =	simm.s32 $0x6700;
	s29 =	simm.s32 $0x4E80;
	s12 =	smul.u32 $0x7800, s26  }
0x7: {  	s6 =	sand.u32 $0x1, s0;
	[smem:$0x7FF] =	sst s4;
	s14 =	smul.u32 $0x1E000, s26  }
0x8: {  	s1 =	sshll.u32 s6, $0x4;
	s10 =	smul.u32 $0x30, s6;
	_ =	strace $0x8000004A  }
0x9: {  	s6 =	ssub.s32 $0x2, s6;
	s8 =	sor.u32 s26, s1;
	s9 =	sshrl.u32 s7, $0x3  }
0xa: {  	s30 =	sshrl.u32 s6, $0x1;
	s17 =	sadd.s32 s12, s2;
	s14 =	sshrl.u32 s14, $0x2  }
0xb: {  	s25 =	sadd.s32 s12, s3;
	s8 =	smul.u32 $0x2780, s8;
	s9 =	sadd.s32 s9, s5  }
0xc: {  	s7 =	sor.u32 s10, s7;
	s13 =	ssub.s32 s6, s30;
	s6 =	sshll.u32 s26, $0x6  }
0xd: {  	s17 =	sshrl.u32 s17, $0x3;
	s25 =	sshrl.u32 s25, $0x3;
	s26 =	simm.s32 $0x80  }
0xe: {  	s7 =	sshrl.u32 s7, $0x3;
	s12 =	smax.u32 s13, $0x1;
	s8 =	sshrl.u32 s8, $0x3  }
0xf: {  	s31 =	sadd.s32 s7, s5;
	s11 =	sadd.s32 s8, s5;
	s5 =	sadd.s32 $0x15600, s9  }
0x10: {  	s8 =	sadd.s32 $0x1A00, s11;
	s9 =	sadd.s32 $0xB800, s11;
	s11 =	sadd.s32 s14, s3  }
0x11: {  	s7 =	sor.u32 $0x1C02, s6;
	s10 =	sadd.s32 $0x3D600, s31;
	s13 =	sadd.s32 $0x1800, s11  }
0x12: {  	v0 =	vimm.f32 $0.0e+00;
	s14 =	sadd.s32 $0x3000, s11;
	s15 =	sadd.s32 $0x4800, s11;
	s16 =	sadd.s32 $0x6000, s11  }
.LBB2_1:
0x13: {  	[spmem:s17@s19], [sflag:s7] =	dma.strided [hbm:s5@s20], $0xF00, s18, $0x6   }
0x14: {  	s30 =	simm.s32 $0xC0;
	s31 =	simm.s32 $0x0  }
.LBB2_2:
0x15: {  	p0 =	seq.s32 s30, $0x5F40;
	[tilespmem:s31+$0x4F20] =	vst v0;
	s1 =	smov.u32 s30;
	s30 =	sadd.s32 $0xC0, s30  }
.Ltmp0:
0x16: {  	[tilespmem:s31+$0x4F00] =	vst v0;
	(pc) =	sbr.rel @!p0 .LBB2_2-.Ltmp0, $2  }
0x17: {  	[tilespmem:s31+$0x4F10] =	vst v0;
	_ =	sdelay $0x2  }
0x18: {  	s31 =	sshra.s32 s1, $0x2  }
0x19: {  	[tilespmem:s31+$0x4F20] =	vst v0  }
0x1a: {  	[tilespmem:s31+$0x4F00] =	vst v0  }
0x1b: {  	[tilespmem:s31+$0x4F10] =	vst v0  }
0x1c: {  	[spmem:s11] =	stream.linear.scatter [tilespmem:s21], [sflag:$0x3], $0x1800, $0x38;
	[tilespmem:$0x16F00] =	vst v63  }
0x1d: {  	_ =	swait.ge [sflag:s22], $0x1800  }
0x1e: {  	[sflag:s22] =	ssyncset.done $0x0  }
0x1f: {  	[sflag:s22] =	ssyncadd.s32 $0xFFFFE800  }
0x20: {  	[spmem:s13] =	stream.linear.scatter [tilespmem:s21], [sflag:$0x3], $0x1800, $0x38;
	[tilespmem:$0x16F00] =	vst v63  }
0x21: {  	_ =	swait.ge [sflag:s22], $0x1800  }
0x22: {  	[sflag:s22] =	ssyncset.done $0x0  }
0x23: {  	[sflag:s22] =	ssyncadd.s32 $0xFFFFE800  }
0x24: {  	[spmem:s14] =	stream.linear.scatter [tilespmem:s21], [sflag:$0x3], $0x1800, $0x38;
	[tilespmem:$0x16F00] =	vst v63  }
0x25: {  	_ =	swait.ge [sflag:s22], $0x1800  }
0x26: {  	[sflag:s22] =	ssyncset.done $0x0  }
0x27: {  	[sflag:s22] =	ssyncadd.s32 $0xFFFFE800  }
0x28: {  	[spmem:s15] =	stream.linear.scatter [tilespmem:s21], [sflag:$0x3], $0x1800, $0x38;
	[tilespmem:$0x16F00] =	vst v63  }
0x29: {  	_ =	swait.ge [sflag:s22], $0x1800  }
0x2a: {  	[sflag:s22] =	ssyncset.done $0x0  }
0x2b: {  	[sflag:s22] =	ssyncadd.s32 $0xFFFFE800  }
0x2c: {  	[spmem:s16] =	stream.linear.scatter [tilespmem:s21], [sflag:$0x3], $0x1800, $0x38;
	[tilespmem:$0x16F00] =	vst v63  }
0x2d: {  	_ =	swait.ge [sflag:s22], $0x1800  }
0x2e: {  	[sflag:s22] =	ssyncset.done $0x0  }
0x2f: {  	s30 =	simm.s32 $0x0;
	[sflag:s22] =	ssyncadd.s32 $0xFFFFE800  }
0x30: {  	[tilespmem:s30], [sflag:$0x3] =	stream.linear.gather [hbm4b:s8+s30], $0x2780, $0x38;
	[tilespmem:$0x16F00] =	vst v63  }
0x31: {  	_ =	swait.ge [sflag:s22], $0x2780  }
0x32: {  	[sflag:s22] =	ssyncset.done $0x0  }
0x33: {  	s0 =	simm.s32 $0x2780;
	[sflag:s22] =	ssyncadd.s32 $0xFFFFD880  }
0x34: {  	[tilespmem:s0], [sflag:$0x3] =	stream.linear.gather [hbm4b:s9+s30], $0x2780, $0x38;
	[tilespmem:$0x16F00] =	vst v63  }
0x35: {  	_ =	swait.ge [sflag:s22], $0x2780  }
0x36: {  	[sflag:s22] =	ssyncset.done $0x0  }
0x37: {  	[sflag:s22] =	ssyncadd.s32 $0xFFFFD880  }
0x38: {  	_ =	swait.ge [sflag:s24], $0xF00  }
0x39: {  	[sflag:s24] =	ssyncset.done $0x0  }
0x3a: {  	[sflag:s24] =	ssyncadd.s32 $0xFFFFF100  }
0x3b: {  	[bflag:$0x0] =	sbarrier.arrive $0xFFFF  }
0x3c: {  	[tilespmem:s21], [sflag:$0x1] =	stream.indirect.gather [spmem:s2], $0x30, s30, s26, $0xb8;
	[tilespmem:$0x16F00] =	vst v63  }
0x3d: {  	s1 =	simm.s32 $0x80  }
0x3e: {  	[tilespmem:s28], [sflag:$0x2] =	stream.indirect.gather [spmem:s2], $0x30, s1, s26, $0xb8;
	[tilespmem:$0x16F00] =	vst v63  }
0x3f: {  	_ =	swait.ge [sflag:s18], $0x1800  }
0x40: {  	[sflag:s18] =	ssyncset.done $0x0  }
0x41: {  	s23 =	simm.s32 $0x2780;
	[sflag:s18] =	ssyncadd.s32 $0xFFFFE800  }
0x42: {  	[spmem:s3] =	stream.indirect.scatter.add.f32 [tilespmem:s21], [sflag:$0x3], $0x30, s23, s26, $0xb8;
	[tilespmem:$0x16F00] =	vst v63  }
0x43: {  	_ =	swait.ge [sflag:s22], $0x1800  }
0x44: {  	[sflag:s22] =	ssyncset.done $0x0  }
0x45: {  	s0 =	simm.s32 $0x100;
	[sflag:s22] =	ssyncadd.s32 $0xFFFFE800  }
0x46: {  	[tilespmem:s21], [sflag:$0x1] =	stream.indirect.gather [spmem:s2], $0x30, s0, s26, $0xb8;
	[tilespmem:$0x16F00] =	vst v63  }
0x47: {  	_ =	swait.ge [sflag:s24], $0x1800  }
0x48: {  	[sflag:s24] =	ssyncset.done $0x0  }
0x49: {  	s23 =	simm.s32 $0x2800;
	[sflag:s24] =	ssyncadd.s32 $0xFFFFE800  }
0x4a: {  	[spmem:s3] =	stream.indirect.scatter.add.f32 [tilespmem:s28], [sflag:$0x3], $0x30, s23, s26, $0xb8;
	[tilespmem:$0x16F00] =	vst v63  }
0x4b: {  	_ =	swait.ge [sflag:s22], $0x1800  }
0x4c: {  	s31 =	simm.s32 $0x800;
	s30 =	simm.s32 $0x100;
	[sflag:s22] =	ssyncset.done $0x0  }
.LBB2_4:
0x4d: {  	s1 =	sadd.s32 $0x80, s30  }
0x4e: {  	[sflag:s22] =	ssyncadd.s32 $0xFFFFE800;
	s0 =	smov.u32 s31;
	s23 =	sadd.s32 $0x400, s31  }
0x4f: {  	[tilespmem:s28], [sflag:$0x2] =	stream.indirect.gather [spmem:s2], $0x30, s1, s26, $0xb8;
	[tilespmem:$0x16F00] =	vst v63  }
0x50: {  	p0 =	sne.s32 s31, $0x9800;
	_ =	swait.ge [sflag:s18], $0x1800  }
0x51: {  	[sflag:s18] =	ssyncset.done $0x0  }
0x52: {  	s1 =	sadd.s32 $0x2780, s30;
	[sflag:s18] =	ssyncadd.s32 $0xFFFFE800  }
0x53: {  	[spmem:s3] =	stream.indirect.scatter.add.f32 [tilespmem:s21], [sflag:$0x3], $0x30, s1, s26, $0xb8;
	[tilespmem:$0x16F00] =	vst v63  }
0x54: {  	_ =	swait.ge [sflag:s22], $0x1800  }
0x55: {  	[sflag:s22] =	ssyncset.done $0x0  }
0x56: {  	s1 =	sadd.s32 $0x100, s30;
	[sflag:s22] =	ssyncadd.s32 $0xFFFFE800  }
0x57: {  	[tilespmem:s21], [sflag:$0x1] =	stream.indirect.gather [spmem:s2], $0x30, s1, s26, $0xb8;
	[tilespmem:$0x16F00] =	vst v63  }
0x58: {  	_ =	swait.ge [sflag:s24], $0x1800  }
.Ltmp1:
0x59: {  	[sflag:s24] =	ssyncset.done $0x0;
	(pc) =	sbr.rel @p0 .LBB2_4-.Ltmp1, $4  }
0x5a: {  	s1 =	sadd.s32 $0x2800, s30;
	[sflag:s24] =	ssyncadd.s32 $0xFFFFE800  }
0x5b: {  	[spmem:s3] =	stream.indirect.scatter.add.f32 [tilespmem:s28], [sflag:$0x3], $0x30, s1, s26, $0xb8;
	[tilespmem:$0x16F00] =	vst v63  }
0x5c: {  	_ =	swait.ge [sflag:s22], $0x1800  }
0x5d: {  	s31 =	smov.u32 s23;
	s30 =	sshra.s32 s0, $0x2;
	[sflag:s22] =	ssyncset.done $0x0  }
0x5e: {  	s0 =	sadd.s32 $0x80, s30;
	[sflag:s22] =	ssyncadd.s32 $0xFFFFE800  }
0x5f: {  	[tilespmem:s28], [sflag:$0x2] =	stream.indirect.gather [spmem:s2], $0x30, s0, s26, $0xb8;
	[tilespmem:$0x16F00] =	vst v63  }
0x60: {  	_ =	swait.ge [sflag:s18], $0x1800  }
0x61: {  	[sflag:s18] =	ssyncset.done $0x0  }
0x62: {  	s1 =	sadd.s32 $0x2780, s30;
	[sflag:s18] =	ssyncadd.s32 $0xFFFFE800  }
0x63: {  	[spmem:s3] =	stream.indirect.scatter.add.f32 [tilespmem:s21], [sflag:$0x3], $0x30, s1, s26, $0xb8;
	[tilespmem:$0x16F00] =	vst v63  }
0x64: {  	_ =	swait.ge [sflag:s22], $0x1800  }
0x65: {  	[sflag:s22] =	ssyncset.done $0x0  }
0x66: {  	s23 =	sadd.s32 $0x100, s30;
	[sflag:s22] =	ssyncadd.s32 $0xFFFFE800  }
0x67: {  	[tilespmem:s21], [sflag:$0x1] =	stream.indirect.gather [spmem:s2], $0x30, s23, s26, $0xb8;
	[tilespmem:$0x16F00] =	vst v63  }
0x68: {  	_ =	swait.ge [sflag:s24], $0x1800  }
0x69: {  	[sflag:s24] =	ssyncset.done $0x0  }
0x6a: {  	s30 =	sadd.s32 $0x2800, s30;
	[sflag:s24] =	ssyncadd.s32 $0xFFFFE800  }
0x6b: {  	[spmem:s3] =	stream.indirect.scatter.add.f32 [tilespmem:s28], [sflag:$0x3], $0x30, s30, s26, $0xb8;
	[tilespmem:$0x16F00] =	vst v63  }
0x6c: {  	_ =	swait.ge [sflag:s22], $0x1800  }
0x6d: {  	[sflag:s22] =	ssyncset.done $0x0  }
0x6e: {  	[sflag:s22] =	ssyncadd.s32 $0xFFFFE800  }
0x6f: {  	_ =	swait.ge [sflag:s18], $0x1800  }
0x70: {  	[sflag:s18] =	ssyncset.done $0x0  }
0x71: {  	[sflag:s18] =	ssyncadd.s32 $0xFFFFE800  }
0x72: {  	[spmem:s3] =	stream.indirect.scatter.add.f32 [tilespmem:s21], [sflag:$0x3], $0x30, s29, s26, $0xb8;
	[tilespmem:$0x16F00] =	vst v63  }
0x73: {  	_ =	swait.ge [sflag:s22], $0x1800  }
0x74: {  	s4 =	sadd.s32 $0x1, s4;
	[sflag:s22] =	ssyncset.done $0x0  }
0x75: {  	p0 =	sne.s32 s4, s12;
	[sflag:s22] =	ssyncadd.s32 $0xFFFFE800  }
.Ltmp2:
0x76: {  	s31 =	sor.u32 $0x1C03, s6;
	[bflag:$0x0] =	sbarrier.arrive $0xFFFF;
	(pc) =	sbr.rel @p0 .LBB2_1-.Ltmp2, $4  }
0x77: {  	[hbm:s10@s20], [sflag:s31] =	dma.strided [spmem:s25@s19], $0xF00, s18, $0x6   }
0x78: {  	_ =	swait.ge [sflag:s22], $0xF00  }
0x79: {  	[sflag:s22] =	ssyncset.done $0x0  }
0x7a: {  	[sflag:s22] =	ssyncadd.s32 $0xFFFFF100  }
0x7b: {  	_ =	sfence.sel $0x180000  }
0x7c: {  	[bflag:$0x0] =	sbarrier.arrive $0xFFFF  }
0x7d: {  	_ =	strace $0x9000004A  }
0x7e: {  	s0 =	stileid.u32;
	[bflag:$0x2] =	sbarrier.arrive $0xFFFF  }
0x7f: {  	p0 =	sne.s32 s0, $0x0;
	s0 =	rddreg [dreg:$0x3]  }
0x80: {  	s0 =	sadd.s32 @!p0 $0x100000, s0  }
0x81: {  	[sflag:s0] =	ssyncadd.tile.s32 @!p0 $0x1;
	_ =	shalt  }
.Lfunc_end2:
_tile_overlayer_lowered:
.L_overlay_start_2:
0x82: {  	(tag) =	ssettag $0x2  }
0x83: {  	s0 =	rddreg [dreg:$0x0];
	s2 =	stileid.u32  }
0x84: {  	s1 =	rddreg [dreg:$0x1];
	p0 =	sne.s32 s2, $0x0  }
0x85: {  	s3 =	rddreg [dreg:$0x2];
	[bflag:$0x3] =	sbarrier.arrive $0xFFFF;
	s2 =	simm.s32 @!p0 $0x1C03  }
0x86: {  	[timem:s3], [sflag:s2] =	dma.local @!p0 [hbm:s0], s1  }
0x87: {  	s0 =	simm.s32 @!p0 $0x3  }
0x88: {  	_ =	swait.ge @!p0 [sflag:s0], s1  }
0x89: {  	s1 =	ssub.s32 @!p0 $0x0, s1;
	[sflag:s0] =	ssyncset.done @!p0 $0x0  }
0x8a: {  	[sflag:s0] =	ssyncadd.s32 @!p0 s1  }
0x8b: {  	[bflag:$0x3] =	sbarrier.arrive $0xFFFF  }
0x8c: {  	_ =	shalt  }

// kernel: kernel.7.cloned.1.call-start
scs
__scs_entry_jumppad:
0x0: {  	(pc) =	sbr.rel $0x88, $3  }
0x1: {  	(tag) =	ssettag $0x0;
	lr =	simm.s32 $0x1  }
0x2: {  	[smem:$0x3F9B] =	sst lr;
	_ =	strace $0xD0000000  }
0x3: {  	_ = 	snop  }
0x4: {  	_ = 	snop  }
0x5: {  	_ = 	snop  }
0x6: {  	_ = 	snop  }
0x7: {  	_ = 	snop  }
__scs_overlays_trampoline_lowered:
0x8: {  	[smem:$0x3FAA] =	sst s0  }
0x9: {  	[smem:$0x3FAB] =	sst s1  }
0xa: {  	[smem:$0x3FAC] =	sst s2  }
0xb: {  	[smem:$0x3FAD] =	sst s3  }
0xc: {  	[smem:$0x3FAE] =	sst s4  }
0xd: {  	[smem:$0x3FAF] =	sst s5  }
0xe: {  	[smem:$0x3FB0] =	sst s6  }
0xf: {  	[smem:$0x3FB1] =	sst s7  }
0x10: {  	[smem:$0x3FB2] =	sst s8  }
0x11: {  	[smem:$0x3FB3] =	sst s9;
	s0 =	simm.s32 @!p0 $0x0  }
0x12: {  	s1 =	sld [smem:$0x3F99];
	s0 =	simm.s32 @p0 $0x1  }
0x13: {  	[smem:$0x3FB4] =	sst s0;
	s0 =	simm.s32 @!p1 $0x0  }
0x14: {  	s2 =	sld [smem:$0x3F98];
	s0 =	simm.s32 @p1 $0x1  }
0x15: {  	[smem:$0x3FB5] =	sst s0;
	s0 =	simm.s32 @!p2 $0x0  }
0x16: {  	s3 =	sld [smem:$0x3FDB];
	s0 =	simm.s32 @p2 $0x1  }
0x17: {  	s4 =	simm.s32 $0x1BF5;
	[smem:$0x3FB7] =	sst s0  }
0x18: {  	s0 =	sld [smem:$0x3F9A];
	_ =	swait.ge [sflag:s4], $0x0  }
0x19: {  	s7 =	sld [smem:$0x3F9B]  }
0x1a: {  	s8 =	sadd.s32 $0xFFFFE003, lr  }
0x1b: {  	s9 =	sadd.s32 $0xFFFFFEF7, lr;
	s5 =	simm.s32 $0xFFFFFFFF;
	p2 =	slt.u32 s8, $0xFFFFF086  }
0x1c: {  	p1 =	slt.u32 s9, $0xF7A;
	s5 =	simm.s32 @!p2 $0x0  }
0x1d: {  	s5 =	simm.s32 @p1 $0x1;
	p0 =	seq.s32 s7, s2  }
0x1e: {  	s7 =	smul.u32 @!p0 $0xF7A, s2;
	p2 =	seq.s32 @!p0 s5, $0x0  }
0x1f: {  	s9 =	smul.u32 $0xF7A, s1;
	s8 =	simm.s32 @!p0 $0x1BF5;
	p2 =	por !p2, p0  }
0x20: {  	[sflag:s8] =	ssyncset.s32 @!p0 $0xFFFFF086;
	s6 =	sadd.s32 @!p0 s3, s7;
	s7 =	simm.s32 @!p0 $0x108  }
0x21: {  	s3 =	sadd.s32 s3, s9;
	s6 =	sadd.s32 @!p0 $0x88, s6;
	s7 =	simm.s32 @p2 $0x1082  }
0x22: {  	[simem:s7], [sflag:s8] =	dma.local @!p0 [hbm:s6], $0xF7A  }
0x23: {  	s9 =	sor.u32 $0xD0000000, s2;
	s6 =	simm.s32 $0x108;
	_ =	swait.ge @!p0 [sflag:s8], $0x0  }
0x24: {  	s3 =	sadd.s32 $0x88, s3;
	s6 =	simm.s32 @!p1 $0x1082;
	[sflag:s4] =	ssyncset.s32 $0xFFFFF086  }
0x25: {  	[simem:s6], [sflag:s4] =	dma.local [hbm:s3], $0xF7A  }
0x26: {  	[smem:$0x3F9B] =	sst s1;
	(tag) =	ssettag s2;
	_ =	strace s9  }
0x27: {  	s1 =	sld [smem:$0x3FAB]  }
0x28: {  	s2 =	sld [smem:$0x3FAC]  }
0x29: {  	s4 =	sld [smem:$0x3FAE]  }
0x2a: {  	p0 =	seq.s32 s5, $0x0;
	s5 =	sld [smem:$0x3FAF]  }
0x2b: {  	s6 =	sld [smem:$0x3FB0]  }
0x2c: {  	s7 =	sld [smem:$0x3FB1]  }
0x2d: {  	s3 =	simm.s32 $0x108;
	s8 =	sld [smem:$0x3FB2]  }
0x2e: {  	s3 =	simm.s32 @!p0 $0x1082;
	s9 =	sld [smem:$0x3FB3]  }
0x2f: {  	lr =	sadd.s32 s0, s3;
	s0 =	sld [smem:$0x3FAA]  }
0x30: {  	s3 =	sld [smem:$0x3FAD]  }
0x31: {  	[smem:$0x3FB6] =	sst s10  }
0x32: {  	s10 =	sld [smem:$0x3FB4];
	_ =	sdelay $0x3  }
0x33: {  	p0 =	seq.s32 s10, $0x1;
	s10 =	sld [smem:$0x3FB6];
	_ =	sdelay $0x3  }
0x34: {  	[smem:$0x3FB6] =	sst s10  }
0x35: {  	s10 =	sld [smem:$0x3FB5];
	_ =	sdelay $0x3  }
0x36: {  	p1 =	seq.s32 s10, $0x1;
	s10 =	sld [smem:$0x3FB6];
	_ =	sdelay $0x3  }
0x37: {  	[smem:$0x3FB6] =	sst s10  }
0x38: {  	s10 =	sld [smem:$0x3FB7]  }
0x39: {  	_ = 	snop;
	(pc) =	sbr.ind lr, $3  }
0x3a: {  	_ = 	snop  }
0x3b: {  	_ = 	snop  }
0x3c: {  	p2 =	seq.s32 s10, $0x1;
	s10 =	sld [smem:$0x3FB6]  }
0x3d: {  	_ =	shalt  }
0x3e: {  	_ =	shalt  }
0x3f: {  	_ =	shalt  }
0x40: {  	_ =	shalt  }
0x41: {  	_ =	shalt  }
0x42: {  	_ =	shalt  }
0x43: {  	_ =	shalt  }
0x44: {  	_ =	shalt  }
0x45: {  	_ =	shalt  }
0x46: {  	_ =	shalt  }
0x47: {  	_ =	shalt  }
0x48: {  	_ =	shalt  }
0x49: {  	_ =	shalt  }
0x4a: {  	_ =	shalt  }
0x4b: {  	_ =	shalt  }
0x4c: {  	_ =	shalt  }
0x4d: {  	_ =	shalt  }
0x4e: {  	_ =	shalt  }
0x4f: {  	_ =	shalt  }
0x50: {  	_ =	shalt  }
0x51: {  	_ =	shalt  }
0x52: {  	_ =	shalt  }
0x53: {  	_ =	shalt  }
0x54: {  	_ =	shalt  }
0x55: {  	_ =	shalt  }
0x56: {  	_ =	shalt  }
0x57: {  	_ =	shalt  }
0x58: {  	_ =	shalt  }
0x59: {  	_ =	shalt  }
0x5a: {  	_ =	shalt  }
0x5b: {  	_ =	shalt  }
0x5c: {  	_ =	shalt  }
0x5d: {  	_ =	shalt  }
0x5e: {  	_ =	shalt  }
0x5f: {  	_ =	shalt  }
0x60: {  	_ =	shalt  }
0x61: {  	_ =	shalt  }
0x62: {  	_ =	shalt  }
0x63: {  	_ =	shalt  }
0x64: {  	_ =	shalt  }
0x65: {  	_ =	shalt  }
0x66: {  	_ =	shalt  }
0x67: {  	_ =	shalt  }
0x68: {  	_ =	shalt  }
0x69: {  	_ =	shalt  }
0x6a: {  	_ =	shalt  }
0x6b: {  	_ =	shalt  }
0x6c: {  	_ =	shalt  }
0x6d: {  	_ =	shalt  }
0x6e: {  	_ =	shalt  }
0x6f: {  	_ =	shalt  }
0x70: {  	_ =	shalt  }
0x71: {  	_ =	shalt  }
0x72: {  	_ =	shalt  }
0x73: {  	_ =	shalt  }
0x74: {  	_ =	shalt  }
0x75: {  	_ =	shalt  }
0x76: {  	_ =	shalt  }
0x77: {  	_ =	shalt  }
0x78: {  	_ =	shalt  }
0x79: {  	_ =	shalt  }
0x7a: {  	_ =	shalt  }
0x7b: {  	_ =	shalt  }
0x7c: {  	_ =	shalt  }
0x7d: {  	_ =	shalt  }
0x7e: {  	_ =	shalt  }
0x7f: {  	_ =	shalt  }
0x80: {  	_ =	shalt  }
0x81: {  	_ =	shalt  }
0x82: {  	_ =	shalt  }
0x83: {  	_ =	shalt  }
0x84: {  	_ =	shalt  }
0x85: {  	_ =	shalt  }
0x86: {  	_ =	shalt  }
0x87: {  	_ =	shalt  }
.Lfunc_end0:
.L_simem_size_0:
called_computation_lowered:
.L_overlay_start_0:
0x88: {  	s2 =	sld [smem:$0x3FD9]  }
0x89: {  	s3 =	sld [smem:$0x3FFE];
	_ =	sdelay $0x1  }
0x8a: {  	s1 =	srdreg.scid  }
0x8b: {  	s0 =	sand.u32 $0x1, s1  }
0x8c: {  	s16 =	sshll.u32 s0, $0xA;
	s2 =	sadd.s32 s3, s2  }
0x8d: {  	s2 =	sadd.s32 s2, s16  }
0x8e: {  	[smem:$0x3FC2] =	sst s2  }
0x8f: {  	_ = 	snop  }
0x90: {  	(tm) =	ssettm $0x1  }
0x91: {  	s17 =	sld [smem:$0x3FFB];
	_ =	sdelay $0x3  }
0x92: {  	_ =	strace s17  }
0x93: {  	s2 =	sld [smem:$0x3FFC];
	_ =	sdelay $0x3  }
0x94: {  	_ =	strace s2  }
0x95: {  	s2 =	sld [smem:$0x3FFD];
	_ =	sdelay $0x3  }
0x96: {  	_ =	strace s2  }
0x97: {  	_ =	strace $0x8FFFFFFF  }
0x98: {  	s18 =	sld [smem:$0x3FDB];
	_ =	sdelay $0x1  }
0x99: {  	s19 =	simm.s32 $_scs_section_size  }
0x9a: {  	s4 =	simm.s32 $_size__tile_overlayer_lowered;
	s5 =	simm.s32 $_tile_overlayer_lowered  }
0x9b: {  	s22 =	simm.s32 $0x1BFF;
	s21 =	sshll.u32 s5, $0x1;
	s2 =	sadd.s32 s19, s18  }
0x9c: {  	s6 =	simm.s32 $0x0;
	s20 =	sshll.u32 s4, $0x1;
	s4 =	sadd.s32 s21, s2  }
0x9d: {  	[timem:s6], [sflag:s22] =	dma.local [hbm:s4], s20  }
0x9e: {  	_ =	swait.ge [sflag:s22], s20  }
0x9f: {  	s3 =	ssub.s32 $0x0, s20;
	[sflag:s22] =	ssyncset.done $0x0  }
0xa0: {  	[sflag:s22] =	ssyncadd.s32 s3;
	_ =	sdelay $0x1  }
0xa1: {  	s23 =	simm.s32 $0x1B8B  }
0xa2: {  	_ =	swait.ge [sflag:s23], $0x1  }
0xa3: {  	[sflag:s23] =	ssyncset.done $0x0  }
0xa4: {  	s25 =	simm.s32 $0x1B8E;
	s24 =	sld [smem:$0x3FFE];
	[sflag:s23] =	ssyncadd.s32 $0xFFFFFFFF  }
0xa5: {  	s26 =	simm.s32 $execute0_lowered;
	[smem:$0x3FD2] =	sst s25  }
0xa6: {  	s4 =	sshll.u32 s26, $0x1;
	_ =	strace $0x80000046;
	[dreg:$0x1] =	wrdreg $0xFFFFFFFF  }
0xa7: {  	s28 =	simm.s32 $_size_execute0_lowered;
	s2 =	sadd.s32 s2, s4;
	[dreg:$0x0] =	wrdreg $0x0  }
0xa8: {  	s4 =	sshll.u32 s28, $0x1;
	[dreg:$0x2] =	wrdreg s2  }
0xa9: {  	[dreg:$0x3] =	wrdreg s4  }
0xaa: {  	[dreg:$0x4] =	wrdreg $0xC0  }
0xab: {  	_ =	task [dreg:s6], $0x5FFFF  }
0xac: {  	[dreg:$0x1] =	wrdreg $0xFFFFFFFF  }
0xad: {  	[dreg:$0x0] =	wrdreg $0x60  }
0xae: {  	[dreg:$0x2] =	wrdreg s24  }
0xaf: {  	[dreg:$0x3] =	wrdreg $0x12F000  }
0xb0: {  	[dreg:$0x4] =	wrdreg $0x8F000  }
0xb1: {  	[dreg:$0x5] =	wrdreg $0x9  }
0xb2: {  	_ =	task.clear_ibuf [dreg:s6], $0x6FFFF;
	_ =	strace $0x90000046  }
0xb3: {  	s29 =	simm.s32 $0x9;
	_ =	strace $0x80000048  }
0xb4: {  	_ =	swait.ge [sflag:s29], $0x1  }
0xb5: {  	[sflag:s29] =	ssyncadd.s32 $0xFFFFFFFF  }
0xb6: {  	_ =	strace $0x90000048  }
0xb7: {  	_ =	sfence  }
0xb8: {  	s30 =	sld [smem:$0x0];
	_ =	sdelay $0x2  }
0xb9: {  	s31 =	sshll.u32 s1, $0xD;
	s1 =	sshrl.u32 s1, $0x2  }
0xba: {  	s3 =	sand.u32 $0x4000, s31;
	s1 =	sadd.s32 s1, s30  }
0xbb: {  	s0 =	sor.u32 s3, s0;
	s1 =	sshll.u32 s1, $0x11  }
0xbc: {  	s0 =	sor.u32 s1, s0  }
0xbd: {  	s0 =	sadd.s32 $0x8F2B, s0  }
0xbe: {  	[sflag:s0] =	ssyncadd.remote.s32 $0x1  }
0xbf: {  	_ =	sfence.sel $0xFFFF  }
0xc0: {  	[dreg:$0x0] =	wrdreg $0xFFFFFFFF;
	(pc) =	sbr.abs _section_cstart, $3  }
0xc1: {  	[dreg:$0x1] =	wrdreg $0xFFFFFFFF  }
0xc2: {  	_ =	task.clear_ibuf [dreg:s6], $0x2FFFF;
	_ =	strace $0x9FFFFFFF  }
0xc3: {  	(tm) =	ssettm $0x7FFFFFFF  }
tec
execute0_lowered:
.L_overlay_start_1:
0x0: {  	(tag) =	ssettag $0x1  }
0x1: {  	s5 =	rddreg [dreg:$0x0]  }
0x2: {  	s1 =	rddreg [dreg:$0x1]  }
0x3: {  	s0 =	srdreg.scid;
	s3 =	rddreg [dreg:$0x2]  }
0x4: {  	s26 =	stileid.u32;
	s4 =	simm.s32 $0x0;
	s18 =	simm.s32 $0x1  }
0x5: {  	s19 =	simm.s32 $0x8;
	s20 =	simm.s32 $0x10;
	s21 =	simm.s32 $0x4F00  }
0x6: {  	s22 =	simm.s32 $0x3;
	s24 =	simm.s32 $0x2;
	s8 =	smul.u32 $0x14000, s26  }
0x7: {  	s28 =	simm.s32 $0x6F00;
	s29 =	simm.s32 $0x4E80;
	s12 =	smul.u32 $0xA000, s26  }
0x8: {  	s6 =	sand.u32 $0x1, s0;
	[smem:$0x7FF] =	sst s4;
	s11 =	smul.u32 $0x28000, s26  }
0x9: {  	s7 =	sshll.u32 s6, $0x4;
	_ =	strace $0x80000047;
	s10 =	sshll.u32 s6, $0x6  }
0xa: {  	s6 =	ssub.s32 $0x2, s6;
	s7 =	sor.u32 s26, s7;
	s9 =	sshrl.u32 s8, $0x3  }
0xb: {  	s8 =	sor.u32 s10, s8;
	s30 =	sshrl.u32 s6, $0x1;
	s17 =	sadd.s32 s12, s1  }
0xc: {  	s31 =	sshrl.u32 s11, $0x2;
	s25 =	sadd.s32 s12, s3;
	s7 =	smul.u32 $0x2780, s7  }
0xd: {  	s9 =	sadd.s32 s9, s5;
	s8 =	sshrl.u32 s8, $0x3;
	s15 =	ssub.s32 s6, s30  }
0xe: {  	s17 =	sshrl.u32 s17, $0x3;
	s25 =	sshrl.u32 s25, $0x3;
	s14 =	sadd.s32 s8, s5  }
0xf: {  	s6 =	sadd.s32 $0x15600, s9;
	s8 =	sadd.s32 s31, s3;
	s12 =	smax.u32 s15, $0x1  }
0x10: {  	s7 =	sshrl.u32 s7, $0x3;
	s11 =	sadd.s32 $0x3D600, s14;
	s14 =	sadd.s32 $0x4000, s8  }
0x11: {  	s15 =	sadd.s32 $0x6000, s8;
	s13 =	sadd.s32 s7, s5;
	s5 =	sshll.u32 s26, $0x6  }
0x12: {  	s16 =	sadd.s32 $0x8000, s8;
	s26 =	simm.s32 $0x80;
	s7 =	sor.u32 $0x1C02, s5  }
0x13: {  	v0 =	vimm.f32 $0.0e+00;
	s9 =	sadd.s32 $0x1A00, s13;
	s10 =	sadd.s32 $0xB800, s13;
	s13 =	sadd.s32 $0x2000, s8  }
.LBB2_1:
0x14: {  	[spmem:s17@s19], [sflag:s7] =	dma.strided [hbm:s6@s20], $0x1400, s18, $0x8   }
0x15: {  	s31 =	simm.s32 $0x100;
	s30 =	simm.s32 $0x0  }
.LBB2_2:
0x16: {  	p0 =	seq.s32 s31, $0x7F00;
	[tilespmem:s30+$0x4F30] =	vst v0;
	s0 =	smov.u32 s31;
	s31 =	sadd.s32 $0x100, s31  }
.Ltmp0:
0x17: {  	[tilespmem:s30+$0x4F20] =	vst v0;
	(pc) =	sbr.rel @!p0 .LBB2_2-.Ltmp0, $3  }
0x18: {  	[tilespmem:s30+$0x4F00] =	vst v0  }
0x19: {  	[tilespmem:s30+$0x4F10] =	vst v0;
	_ =	sdelay $0x1  }
0x1a: {  	s30 =	sshra.s32 s0, $0x2  }
0x1b: {  	[tilespmem:s30+$0x4F30] =	vst v0  }
0x1c: {  	[tilespmem:s30+$0x4F20] =	vst v0  }
0x1d: {  	[tilespmem:s30+$0x4F00] =	vst v0  }
0x1e: {  	[tilespmem:s30+$0x4F10] =	vst v0  }
0x1f: {  	[spmem:s8] =	stream.linear.scatter [tilespmem:s21], [sflag:$0x3], $0x2000, $0x38;
	[tilespmem:$0x1CF00] =	vst v63  }
0x20: {  	_ =	swait.ge [sflag:s22], $0x2000  }
0x21: {  	[sflag:s22] =	ssyncset.done $0x0  }
0x22: {  	[sflag:s22] =	ssyncadd.s32 $0xFFFFE000  }
0x23: {  	[spmem:s13] =	stream.linear.scatter [tilespmem:s21], [sflag:$0x3], $0x2000, $0x38;
	[tilespmem:$0x1CF00] =	vst v63  }
0x24: {  	_ =	swait.ge [sflag:s22], $0x2000  }
0x25: {  	[sflag:s22] =	ssyncset.done $0x0  }
0x26: {  	[sflag:s22] =	ssyncadd.s32 $0xFFFFE000  }
0x27: {  	[spmem:s14] =	stream.linear.scatter [tilespmem:s21], [sflag:$0x3], $0x2000, $0x38;
	[tilespmem:$0x1CF00] =	vst v63  }
0x28: {  	_ =	swait.ge [sflag:s22], $0x2000  }
0x29: {  	[sflag:s22] =	ssyncset.done $0x0  }
0x2a: {  	[sflag:s22] =	ssyncadd.s32 $0xFFFFE000  }
0x2b: {  	[spmem:s15] =	stream.linear.scatter [tilespmem:s21], [sflag:$0x3], $0x2000, $0x38;
	[tilespmem:$0x1CF00] =	vst v63  }
0x2c: {  	_ =	swait.ge [sflag:s22], $0x2000  }
0x2d: {  	[sflag:s22] =	ssyncset.done $0x0  }
0x2e: {  	[sflag:s22] =	ssyncadd.s32 $0xFFFFE000  }
0x2f: {  	[spmem:s16] =	stream.linear.scatter [tilespmem:s21], [sflag:$0x3], $0x2000, $0x38;
	[tilespmem:$0x1CF00] =	vst v63  }
0x30: {  	_ =	swait.ge [sflag:s22], $0x2000  }
0x31: {  	[sflag:s22] =	ssyncset.done $0x0  }
0x32: {  	s30 =	simm.s32 $0x0;
	[sflag:s22] =	ssyncadd.s32 $0xFFFFE000  }
0x33: {  	[tilespmem:s30], [sflag:$0x3] =	stream.linear.gather [hbm4b:s9+s30], $0x2780, $0x38;
	[tilespmem:$0x1CF00] =	vst v63  }
0x34: {  	_ =	swait.ge [sflag:s22], $0x2780  }
0x35: {  	[sflag:s22] =	ssyncset.done $0x0  }
0x36: {  	s0 =	simm.s32 $0x2780;
	[sflag:s22] =	ssyncadd.s32 $0xFFFFD880  }
0x37: {  	[tilespmem:s0], [sflag:$0x3] =	stream.linear.gather [hbm4b:s10+s30], $0x2780, $0x38;
	[tilespmem:$0x1CF00] =	vst v63  }
0x38: {  	_ =	swait.ge [sflag:s22], $0x2780  }
0x39: {  	[sflag:s22] =	ssyncset.done $0x0  }
0x3a: {  	[sflag:s22] =	ssyncadd.s32 $0xFFFFD880  }
0x3b: {  	_ =	swait.ge [sflag:s24], $0x1400  }
0x3c: {  	[sflag:s24] =	ssyncset.done $0x0  }
0x3d: {  	[sflag:s24] =	ssyncadd.s32 $0xFFFFEC00  }
0x3e: {  	[bflag:$0x0] =	sbarrier.arrive $0xFFFF  }
0x3f: {  	[tilespmem:s21], [sflag:$0x1] =	stream.indirect.gather [spmem:s1], $0x40, s30, s26, $0xb8;
	[tilespmem:$0x1CF00] =	vst v63  }
0x40: {  	s2 =	simm.s32 $0x80  }
0x41: {  	[tilespmem:s28], [sflag:$0x2] =	stream.indirect.gather [spmem:s1], $0x40, s2, s26, $0xb8;
	[tilespmem:$0x1CF00] =	vst v63  }
0x42: {  	_ =	swait.ge [sflag:s18], $0x2000  }
0x43: {  	[sflag:s18] =	ssyncset.done $0x0  }
0x44: {  	s23 =	simm.s32 $0x2780;
	[sflag:s18] =	ssyncadd.s32 $0xFFFFE000  }
0x45: {  	[spmem:s3] =	stream.indirect.scatter.add.f32 [tilespmem:s21], [sflag:$0x3], $0x40, s23, s26, $0xb8;
	[tilespmem:$0x1CF00] =	vst v63  }
0x46: {  	_ =	swait.ge [sflag:s22], $0x2000  }
0x47: {  	[sflag:s22] =	ssyncset.done $0x0  }
0x48: {  	s2 =	simm.s32 $0x100;
	[sflag:s22] =	ssyncadd.s32 $0xFFFFE000  }
0x49: {  	[tilespmem:s21], [sflag:$0x1] =	stream.indirect.gather [spmem:s1], $0x40, s2, s26, $0xb8;
	[tilespmem:$0x1CF00] =	vst v63  }
0x4a: {  	_ =	swait.ge [sflag:s24], $0x2000  }
0x4b: {  	[sflag:s24] =	ssyncset.done $0x0  }
0x4c: {  	s23 =	simm.s32 $0x2800;
	[sflag:s24] =	ssyncadd.s32 $0xFFFFE000  }
0x4d: {  	[spmem:s3] =	stream.indirect.scatter.add.f32 [tilespmem:s28], [sflag:$0x3], $0x40, s23, s26, $0xb8;
	[tilespmem:$0x1CF00] =	vst v63  }
0x4e: {  	_ =	swait.ge [sflag:s22], $0x2000  }
0x4f: {  	s31 =	simm.s32 $0x800;
	s30 =	simm.s32 $0x100;
	[sflag:s22] =	ssyncset.done $0x0  }
.LBB2_4:
0x50: {  	s0 =	sadd.s32 $0x80, s30  }
0x51: {  	[sflag:s22] =	ssyncadd.s32 $0xFFFFE000;
	s2 =	smov.u32 s31;
	s23 =	sadd.s32 $0x400, s31  }
0x52: {  	[tilespmem:s28], [sflag:$0x2] =	stream.indirect.gather [spmem:s1], $0x40, s0, s26, $0xb8;
	[tilespmem:$0x1CF00] =	vst v63  }
0x53: {  	p0 =	sne.s32 s31, $0x9800;
	_ =	swait.ge [sflag:s18], $0x2000  }
0x54: {  	[sflag:s18] =	ssyncset.done $0x0  }
0x55: {  	s0 =	sadd.s32 $0x2780, s30;
	[sflag:s18] =	ssyncadd.s32 $0xFFFFE000  }
0x56: {  	[spmem:s3] =	stream.indirect.scatter.add.f32 [tilespmem:s21], [sflag:$0x3], $0x40, s0, s26, $0xb8;
	[tilespmem:$0x1CF00] =	vst v63  }
0x57: {  	_ =	swait.ge [sflag:s22], $0x2000  }
0x58: {  	[sflag:s22] =	ssyncset.done $0x0  }
0x59: {  	s0 =	sadd.s32 $0x100, s30;
	[sflag:s22] =	ssyncadd.s32 $0xFFFFE000  }
0x5a: {  	[tilespmem:s21], [sflag:$0x1] =	stream.indirect.gather [spmem:s1], $0x40, s0, s26, $0xb8;
	[tilespmem:$0x1CF00] =	vst v63  }
0x5b: {  	_ =	swait.ge [sflag:s24], $0x2000  }
.Ltmp1:
0x5c: {  	[sflag:s24] =	ssyncset.done $0x0;
	(pc) =	sbr.rel @p0 .LBB2_4-.Ltmp1, $4  }
0x5d: {  	s0 =	sadd.s32 $0x2800, s30;
	[sflag:s24] =	ssyncadd.s32 $0xFFFFE000  }
0x5e: {  	[spmem:s3] =	stream.indirect.scatter.add.f32 [tilespmem:s28], [sflag:$0x3], $0x40, s0, s26, $0xb8;
	[tilespmem:$0x1CF00] =	vst v63  }
0x5f: {  	_ =	swait.ge [sflag:s22], $0x2000  }
0x60: {  	s31 =	smov.u32 s23;
	s30 =	sshra.s32 s2, $0x2;
	[sflag:s22] =	ssyncset.done $0x0  }
0x61: {  	s0 =	sadd.s32 $0x80, s30;
	[sflag:s22] =	ssyncadd.s32 $0xFFFFE000  }
0x62: {  	[tilespmem:s28], [sflag:$0x2] =	stream.indirect.gather [spmem:s1], $0x40, s0, s26, $0xb8;
	[tilespmem:$0x1CF00] =	vst v63  }
0x63: {  	_ =	swait.ge [sflag:s18], $0x2000  }
0x64: {  	[sflag:s18] =	ssyncset.done $0x0  }
0x65: {  	s2 =	sadd.s32 $0x2780, s30;
	[sflag:s18] =	ssyncadd.s32 $0xFFFFE000  }
0x66: {  	[spmem:s3] =	stream.indirect.scatter.add.f32 [tilespmem:s21], [sflag:$0x3], $0x40, s2, s26, $0xb8;
	[tilespmem:$0x1CF00] =	vst v63  }
0x67: {  	_ =	swait.ge [sflag:s22], $0x2000  }
0x68: {  	[sflag:s22] =	ssyncset.done $0x0  }
0x69: {  	s23 =	sadd.s32 $0x100, s30;
	[sflag:s22] =	ssyncadd.s32 $0xFFFFE000  }
0x6a: {  	[tilespmem:s21], [sflag:$0x1] =	stream.indirect.gather [spmem:s1], $0x40, s23, s26, $0xb8;
	[tilespmem:$0x1CF00] =	vst v63  }
0x6b: {  	_ =	swait.ge [sflag:s24], $0x2000  }
0x6c: {  	[sflag:s24] =	ssyncset.done $0x0  }
0x6d: {  	s30 =	sadd.s32 $0x2800, s30;
	[sflag:s24] =	ssyncadd.s32 $0xFFFFE000  }
0x6e: {  	[spmem:s3] =	stream.indirect.scatter.add.f32 [tilespmem:s28], [sflag:$0x3], $0x40, s30, s26, $0xb8;
	[tilespmem:$0x1CF00] =	vst v63  }
0x6f: {  	_ =	swait.ge [sflag:s22], $0x2000  }
0x70: {  	[sflag:s22] =	ssyncset.done $0x0  }
0x71: {  	[sflag:s22] =	ssyncadd.s32 $0xFFFFE000  }
0x72: {  	_ =	swait.ge [sflag:s18], $0x2000  }
0x73: {  	[sflag:s18] =	ssyncset.done $0x0  }
0x74: {  	[sflag:s18] =	ssyncadd.s32 $0xFFFFE000  }
0x75: {  	[spmem:s3] =	stream.indirect.scatter.add.f32 [tilespmem:s21], [sflag:$0x3], $0x40, s29, s26, $0xb8;
	[tilespmem:$0x1CF00] =	vst v63  }
0x76: {  	_ =	swait.ge [sflag:s22], $0x2000  }
0x77: {  	s4 =	sadd.s32 $0x1, s4;
	[sflag:s22] =	ssyncset.done $0x0  }
0x78: {  	p0 =	sne.s32 s4, s12;
	[sflag:s22] =	ssyncadd.s32 $0xFFFFE000  }
.Ltmp2:
0x79: {  	s31 =	sor.u32 $0x1C03, s5;
	[bflag:$0x0] =	sbarrier.arrive $0xFFFF;
	(pc) =	sbr.rel @p0 .LBB2_1-.Ltmp2, $4  }
0x7a: {  	[hbm:s11@s20], [sflag:s31] =	dma.strided [spmem:s25@s19], $0x1400, s18, $0x8   }
0x7b: {  	_ =	swait.ge [sflag:s22], $0x1400  }
0x7c: {  	[sflag:s22] =	ssyncset.done $0x0  }
0x7d: {  	[sflag:s22] =	ssyncadd.s32 $0xFFFFEC00  }
0x7e: {  	_ =	sfence.sel $0x180000  }
0x7f: {  	[bflag:$0x0] =	sbarrier.arrive $0xFFFF  }
0x80: {  	_ =	strace $0x90000047  }
0x81: {  	s0 =	stileid.u32;
	[bflag:$0x2] =	sbarrier.arrive $0xFFFF  }
0x82: {  	p0 =	sne.s32 s0, $0x0;
	s0 =	rddreg [dreg:$0x3]  }
0x83: {  	s0 =	sadd.s32 @!p0 $0x100000, s0  }
0x84: {  	[sflag:s0] =	ssyncadd.tile.s32 @!p0 $0x1;
	_ =	shalt  }
.Lfunc_end2:
_tile_overlayer_lowered:
.L_overlay_start_2:
0x85: {  	(tag) =	ssettag $0x2  }
0x86: {  	s0 =	rddreg [dreg:$0x0];
	s2 =	stileid.u32  }
0x87: {  	s1 =	rddreg [dreg:$0x1];
	p0 =	sne.s32 s2, $0x0  }
0x88: {  	s3 =	rddreg [dreg:$0x2];
	[bflag:$0x3] =	sbarrier.arrive $0xFFFF;
	s2 =	simm.s32 @!p0 $0x1C03  }
0x89: {  	[timem:s3], [sflag:s2] =	dma.local @!p0 [hbm:s0], s1  }
0x8a: {  	s0 =	simm.s32 @!p0 $0x3  }
0x8b: {  	_ =	swait.ge @!p0 [sflag:s0], s1  }
0x8c: {  	s1 =	ssub.s32 @!p0 $0x0, s1;
	[sflag:s0] =	ssyncset.done @!p0 $0x0  }
0x8d: {  	[sflag:s0] =	ssyncadd.s32 @!p0 s1  }
0x8e: {  	[bflag:$0x3] =	sbarrier.arrive $0xFFFF  }
0x8f: {  	_ =	shalt  }

</sc_bundles>
